<compile_context>
chip_gen: v7x
topology: tpu7x:2x2x1
jax: 0.10.2.dev20260603
libtpu: 0.0.44.dev20260713+nightly
codegen_flags: <defaults>
</compile_context>

<pallas_src>
import jax
import jax.numpy as jnp
from jax import lax
from jax.experimental import pallas as pl
from jax.experimental.pallas import tpu as pltpu
from jax.experimental.pallas import tpu_sc as plsc

N_KV_HEADS = 8
HEAD_DIM = 128
MAX_SEQ_LEN = 8192
Q_LEN = 16
NROWS = N_KV_HEADS * Q_LEN


def _tc_copy_body(kc_ref, vc_ref, ko_ref, vo_ref):
    ko_ref[...] = kc_ref[...]
    vo_ref[...] = vc_ref[...]


def _tc_copy(kc, vc):
    cache_spec = pl.BlockSpec((1, MAX_SEQ_LEN, HEAD_DIM), lambda h: (h, 0, 0))
    return pl.pallas_call(
        _tc_copy_body,
        grid=(N_KV_HEADS,),
        in_specs=[cache_spec, cache_spec],
        out_specs=[cache_spec, cache_spec],
        out_shape=[
            jax.ShapeDtypeStruct(kc.shape, kc.dtype),
            jax.ShapeDtypeStruct(vc.shape, vc.dtype),
        ],
    )(kc, vc)


def _sc_body(k_ref, v_ref, pos_hbm, kval_hbm, vval_hbm,
             pos_v, idx_v, rows_v, sem):
    wid = lax.axis_index("s") * 2 + lax.axis_index("c")

    def do_cache(cache_ref, val_hbm):
        pltpu.sync_copy(pos_hbm, pos_v)
        lanes = lax.iota(jnp.int32, Q_LEN)
        pos_vec = pos_v[...]
        w = lanes
        for shift in range(1, Q_LEN):
            perm = (lanes + shift) & (Q_LEN - 1)
            p_sh = lax.gather(
                pos_vec, perm[:, None],
                lax.GatherDimensionNumbers(
                    offset_dims=(), collapsed_slice_dims=(0,),
                    start_index_map=(0,)),
                slice_sizes=(1,),
                mode=lax.GatherScatterMode.PROMISE_IN_BOUNDS)
            w = jnp.where(p_sh == pos_vec, jnp.maximum(w, perm), w)
        for h in range(N_KV_HEADS):
            idx_v[pl.ds(h * Q_LEN, Q_LEN)] = w + h * Q_LEN
        pltpu.async_copy(val_hbm.at[idx_v], rows_v, sem).wait()
        for h in range(N_KV_HEADS):
            idx_v[pl.ds(h * Q_LEN, Q_LEN)] = pos_vec + h * MAX_SEQ_LEN
        pltpu.async_copy(rows_v, cache_ref.at[idx_v], sem).wait()

    @pl.when(wid == 0)
    def _():
        do_cache(k_ref, kval_hbm)

    @pl.when(wid == 1)
    def _():
        do_cache(v_ref, vval_hbm)


_sc_update = pl.kernel(
    _sc_body,
    out_type=(),
    mesh=plsc.VectorSubcoreMesh(core_axis_name="c", subcore_axis_name="s"),
    scratch_types=[
        pltpu.VMEM((Q_LEN,), jnp.int32),
        pltpu.VMEM((NROWS,), jnp.int32),
        pltpu.VMEM((NROWS, HEAD_DIM), jnp.float32),
        pltpu.SemaphoreType.DMA,
    ],
)


def kernel(k_cache, v_cache, input_pos, k_val, v_val):
    kc = k_cache.reshape(N_KV_HEADS, MAX_SEQ_LEN, HEAD_DIM)
    vc = v_cache.reshape(N_KV_HEADS, MAX_SEQ_LEN, HEAD_DIM)
    kv = k_val.reshape(NROWS, HEAD_DIM)
    vv = v_val.reshape(NROWS, HEAD_DIM)
    pos = input_pos.astype(jnp.int32)

    ko_raw, vo_raw = _tc_copy(kc, vc)

    k_ref = jax.new_ref(ko_raw.reshape(N_KV_HEADS * MAX_SEQ_LEN, HEAD_DIM))
    v_ref = jax.new_ref(vo_raw.reshape(N_KV_HEADS * MAX_SEQ_LEN, HEAD_DIM))
    _sc_update(k_ref, v_ref, pos, kv, vv)
    ko = k_ref[...]
    vo = v_ref[...]
    return (ko.reshape(k_cache.shape), vo.reshape(v_cache.shape))

# --- scband reference (transcript-rebuilt; emitter-appended) ---
"""Pipeline reference for scband-kvcache-2018634629554 (READ-ONLY COPY).

The authoritative reference and input builder live on the scoring server;
editing this copy changes nothing except your own understanding.
"""

import jax, jax.numpy as jnp
import numpy as np

N_KV_HEADS = 8
HEAD_DIM = 128
MAX_SEQ_LEN = 8192
Q_LEN = 16


def setup_inputs(seed: int = 0) -> dict:
    key = jax.random.key(seed)
    k1, k2, k3 = jax.random.split(key, 3)
    input_pos = jax.random.randint(k1, (Q_LEN,), 0, MAX_SEQ_LEN, dtype=jnp.int64 if jax.config.jax_enable_x64 else jnp.int32)
    k_val = jax.random.normal(k2, (1, N_KV_HEADS, Q_LEN, HEAD_DIM), dtype=jnp.float32)
    v_val = jax.random.normal(k3, (1, N_KV_HEADS, Q_LEN, HEAD_DIM), dtype=jnp.float32)
    # buffers (the KV cache memory) materialized per init_kwargs
    k_cache = jnp.zeros((1, N_KV_HEADS, MAX_SEQ_LEN, HEAD_DIM), dtype=jnp.float32)
    v_cache = jnp.zeros((1, N_KV_HEADS, MAX_SEQ_LEN, HEAD_DIM), dtype=jnp.float32)
    return {"k_cache": k_cache, "v_cache": v_cache, "input_pos": input_pos, "k_val": k_val, "v_val": v_val}


def reference(k_cache, v_cache, input_pos, k_val, v_val):
    # Faithful translation of KVCache.update:
    #   self.k_cache[:, :, input_pos] = k_val ; self.v_cache[:, :, input_pos] = v_val
    # Scatter-overwrite along the sequence axis.
    k_new = k_cache.at[:, :, input_pos].set(k_val)
    v_new = v_cache.at[:, :, input_pos].set(v_val)
    return (k_new, v_new)

if __name__ == "__main__":
    import jax
    _d = setup_inputs()
    print(jax.jit(kernel)(*tuple(_d.values())))

</pallas_src>

<mosaic_0001>
#map = affine_map<(d0, d1) -> (0, 0)>
#map1 = affine_map<(d0, d1) -> (0)>
module attributes {stable_mosaic.version = 14 : i64} {
  func.func @new_body(%arg0: i32, %arg1: i32, %arg2: memref<65536x128xf32, #tpu.memory_space<hbm>>, %arg3: memref<65536x128xf32, #tpu.memory_space<hbm>>, %arg4: memref<16xi32, #tpu.memory_space<hbm>>, %arg5: memref<128x128xf32, #tpu.memory_space<hbm>>, %arg6: memref<128x128xf32, #tpu.memory_space<hbm>>, %arg7: memref<65536x128xf32, #tpu.memory_space<hbm>>, %arg8: memref<65536x128xf32, #tpu.memory_space<hbm>>, %arg9: memref<16xi32, #tpu.memory_space<vmem>>, %arg10: memref<128xi32, #tpu.memory_space<vmem>>, %arg11: memref<128x128xf32, #tpu.memory_space<vmem>>, %arg12: memref<!tpu.dma_semaphore, #tpu.memory_space<semaphore_mem>>) attributes {dimension_semantics = [#tpu.dimension_semantics<core_parallel>, #tpu.dimension_semantics<subcore_parallel>], iteration_bounds = array<i64: 2, 16>, scalar_prefetch = 0 : i64, scratch_operands = 4 : i64, tpu.core_type = #tpu.core_type<sc_vector_subcore>, window_params = [{transform_indices = #map}, {transform_indices = #map}, {transform_indices = #map1}, {transform_indices = #map}, {transform_indices = #map}, {transform_indices = #map}, {transform_indices = #map}]} {
    %mul3A = arith.constant 2 : i32
    %mul3A_0 = arith.muli %arg1, %mul3A : i32
    %add3A = arith.addi %mul3A_0, %arg0 : i32
    %eq3A = arith.constant 0 : i32
    %eq3A_1 = arith.cmpi eq, %add3A, %eq3A : i32
    %convert_element_type3A = arith.extui %eq3A_1 : i1 to i32
    %cond3A = arith.constant 0 : i32
    %cond3A_2 = arith.cmpi ne, %convert_element_type3A, %cond3A : i32
    scf.if %cond3A_2 {
      "tpu.region"() ({
        %run_scoped3A = tpu.sem_alloc : memref<!tpu.dma_semaphore, #tpu.memory_space<semaphore_mem>>
        tpu.enqueue_dma source(%arg4 : memref<16xi32, #tpu.memory_space<hbm>>) target(%arg9 : memref<16xi32, #tpu.memory_space<vmem>>) target_semaphore(%run_scoped3A : memref<!tpu.dma_semaphore, #tpu.memory_space<semaphore_mem>>)
        tpu.wait_dma2 semaphore(%run_scoped3A : memref<!tpu.dma_semaphore, #tpu.memory_space<semaphore_mem>>) src(%arg4 : memref<16xi32, #tpu.memory_space<hbm>>) dst(%arg9 : memref<16xi32, #tpu.memory_space<vmem>>)
        tpu.yield
      }) : () -> ()
      %iota3A = tpu.iota {dimensions = array<i32: 0>} : vector<16xi32>
      %get3A = arith.constant 0 : index
      %get3A_8 = tpu.vector_load %arg9[%get3A] {strides = array<i32>} : memref<16xi32, #tpu.memory_space<vmem>>, vector<16xi32>,
      %get3A_9 = vector.shape_cast %get3A_8 : vector<16xi32> to vector<16xi32>
      %add3A_10 = arith.constant 1 : i32
      %add3A_11 = vector.broadcast %add3A_10 : i32 to vector<16xi32>
      %add3A_12 = arith.addi %iota3A, %add3A_11 : vector<16xi32>
      %and3A = arith.constant 15 : i32
      %and3A_13 = vector.broadcast %and3A : i32 to vector<16xi32>
      %and3A_14 = arith.andi %add3A_12, %and3A_13 : vector<16xi32>
      %broadcast_in_dim3A = vector.shape_cast %and3A_14 : vector<16xi32> to vector<16x1xi32>
      %gather3A = vector.shape_cast %broadcast_in_dim3A : vector<16x1xi32> to vector<16xi32>
      %gather3A_15 = tpu.dynamic_gather %get3A_9[%gather3A] in [0] : vector<16xi32>, vector<16xi32> -> vector<16xi32>
      %eq3A_16 = arith.cmpi eq, %gather3A_15, %get3A_9 : vector<16xi32>
      %max3A = arith.maxsi %iota3A, %and3A_14 : vector<16xi32>
      %select_n3A = arith.select %eq3A_16, %max3A, %iota3A : vector<16xi1>, vector<16xi32>
      %add3A_17 = arith.constant 2 : i32
      %add3A_18 = vector.broadcast %add3A_17 : i32 to vector<16xi32>
      %add3A_19 = arith.addi %iota3A, %add3A_18 : vector<16xi32>
      %and3A_20 = arith.constant 15 : i32
      %and3A_21 = vector.broadcast %and3A_20 : i32 to vector<16xi32>
      %and3A_22 = arith.andi %add3A_19, %and3A_21 : vector<16xi32>
      %broadcast_in_dim3A_23 = vector.shape_cast %and3A_22 : vector<16xi32> to vector<16x1xi32>
      %gather3A_24 = vector.shape_cast %broadcast_in_dim3A_23 : vector<16x1xi32> to vector<16xi32>
      %gather3A_25 = tpu.dynamic_gather %get3A_9[%gather3A_24] in [0] : vector<16xi32>, vector<16xi32> -> vector<16xi32>
      %eq3A_26 = arith.cmpi eq, %gather3A_25, %get3A_9 : vector<16xi32>
      %max3A_27 = arith.maxsi %select_n3A, %and3A_22 : vector<16xi32>
      %select_n3A_28 = arith.select %eq3A_26, %max3A_27, %select_n3A : vector<16xi1>, vector<16xi32>
      %add3A_29 = arith.constant 3 : i32
      %add3A_30 = vector.broadcast %add3A_29 : i32 to vector<16xi32>
      %add3A_31 = arith.addi %iota3A, %add3A_30 : vector<16xi32>
      %and3A_32 = arith.constant 15 : i32
      %and3A_33 = vector.broadcast %and3A_32 : i32 to vector<16xi32>
      %and3A_34 = arith.andi %add3A_31, %and3A_33 : vector<16xi32>
      %broadcast_in_dim3A_35 = vector.shape_cast %and3A_34 : vector<16xi32> to vector<16x1xi32>
      %gather3A_36 = vector.shape_cast %broadcast_in_dim3A_35 : vector<16x1xi32> to vector<16xi32>
      %gather3A_37 = tpu.dynamic_gather %get3A_9[%gather3A_36] in [0] : vector<16xi32>, vector<16xi32> -> vector<16xi32>
      %eq3A_38 = arith.cmpi eq, %gather3A_37, %get3A_9 : vector<16xi32>
      %max3A_39 = arith.maxsi %select_n3A_28, %and3A_34 : vector<16xi32>
      %select_n3A_40 = arith.select %eq3A_38, %max3A_39, %select_n3A_28 : vector<16xi1>, vector<16xi32>
      %add3A_41 = arith.constant 4 : i32
      %add3A_42 = vector.broadcast %add3A_41 : i32 to vector<16xi32>
      %add3A_43 = arith.addi %iota3A, %add3A_42 : vector<16xi32>
      %and3A_44 = arith.constant 15 : i32
      %and3A_45 = vector.broadcast %and3A_44 : i32 to vector<16xi32>
      %and3A_46 = arith.andi %add3A_43, %and3A_45 : vector<16xi32>
      %broadcast_in_dim3A_47 = vector.shape_cast %and3A_46 : vector<16xi32> to vector<16x1xi32>
      %gather3A_48 = vector.shape_cast %broadcast_in_dim3A_47 : vector<16x1xi32> to vector<16xi32>
      %gather3A_49 = tpu.dynamic_gather %get3A_9[%gather3A_48] in [0] : vector<16xi32>, vector<16xi32> -> vector<16xi32>
      %eq3A_50 = arith.cmpi eq, %gather3A_49, %get3A_9 : vector<16xi32>
      %max3A_51 = arith.maxsi %select_n3A_40, %and3A_46 : vector<16xi32>
      %select_n3A_52 = arith.select %eq3A_50, %max3A_51, %select_n3A_40 : vector<16xi1>, vector<16xi32>
      %add3A_53 = arith.constant 5 : i32
      %add3A_54 = vector.broadcast %add3A_53 : i32 to vector<16xi32>
      %add3A_55 = arith.addi %iota3A, %add3A_54 : vector<16xi32>
      %and3A_56 = arith.constant 15 : i32
      %and3A_57 = vector.broadcast %and3A_56 : i32 to vector<16xi32>
      %and3A_58 = arith.andi %add3A_55, %and3A_57 : vector<16xi32>
      %broadcast_in_dim3A_59 = vector.shape_cast %and3A_58 : vector<16xi32> to vector<16x1xi32>
      %gather3A_60 = vector.shape_cast %broadcast_in_dim3A_59 : vector<16x1xi32> to vector<16xi32>
      %gather3A_61 = tpu.dynamic_gather %get3A_9[%gather3A_60] in [0] : vector<16xi32>, vector<16xi32> -> vector<16xi32>
      %eq3A_62 = arith.cmpi eq, %gather3A_61, %get3A_9 : vector<16xi32>
      %max3A_63 = arith.maxsi %select_n3A_52, %and3A_58 : vector<16xi32>
      %select_n3A_64 = arith.select %eq3A_62, %max3A_63, %select_n3A_52 : vector<16xi1>, vector<16xi32>
      %add3A_65 = arith.constant 6 : i32
      %add3A_66 = vector.broadcast %add3A_65 : i32 to vector<16xi32>
      %add3A_67 = arith.addi %iota3A, %add3A_66 : vector<16xi32>
      %and3A_68 = arith.constant 15 : i32
      %and3A_69 = vector.broadcast %and3A_68 : i32 to vector<16xi32>
      %and3A_70 = arith.andi %add3A_67, %and3A_69 : vector<16xi32>
      %broadcast_in_dim3A_71 = vector.shape_cast %and3A_70 : vector<16xi32> to vector<16x1xi32>
      %gather3A_72 = vector.shape_cast %broadcast_in_dim3A_71 : vector<16x1xi32> to vector<16xi32>
      %gather3A_73 = tpu.dynamic_gather %get3A_9[%gather3A_72] in [0] : vector<16xi32>, vector<16xi32> -> vector<16xi32>
      %eq3A_74 = arith.cmpi eq, %gather3A_73, %get3A_9 : vector<16xi32>
      %max3A_75 = arith.maxsi %select_n3A_64, %and3A_70 : vector<16xi32>
      %select_n3A_76 = arith.select %eq3A_74, %max3A_75, %select_n3A_64 : vector<16xi1>, vector<16xi32>
      %add3A_77 = arith.constant 7 : i32
      %add3A_78 = vector.broadcast %add3A_77 : i32 to vector<16xi32>
      %add3A_79 = arith.addi %iota3A, %add3A_78 : vector<16xi32>
      %and3A_80 = arith.constant 15 : i32
      %and3A_81 = vector.broadcast %and3A_80 : i32 to vector<16xi32>
      %and3A_82 = arith.andi %add3A_79, %and3A_81 : vector<16xi32>
      %broadcast_in_dim3A_83 = vector.shape_cast %and3A_82 : vector<16xi32> to vector<16x1xi32>
      %gather3A_84 = vector.shape_cast %broadcast_in_dim3A_83 : vector<16x1xi32> to vector<16xi32>
      %gather3A_85 = tpu.dynamic_gather %get3A_9[%gather3A_84] in [0] : vector<16xi32>, vector<16xi32> -> vector<16xi32>
      %eq3A_86 = arith.cmpi eq, %gather3A_85, %get3A_9 : vector<16xi32>
      %max3A_87 = arith.maxsi %select_n3A_76, %and3A_82 : vector<16xi32>
      %select_n3A_88 = arith.select %eq3A_86, %max3A_87, %select_n3A_76 : vector<16xi1>, vector<16xi32>
      %add3A_89 = arith.constant 8 : i32
      %add3A_90 = vector.broadcast %add3A_89 : i32 to vector<16xi32>
      %add3A_91 = arith.addi %iota3A, %add3A_90 : vector<16xi32>
      %and3A_92 = arith.constant 15 : i32
      %and3A_93 = vector.broadcast %and3A_92 : i32 to vector<16xi32>
      %and3A_94 = arith.andi %add3A_91, %and3A_93 : vector<16xi32>
      %broadcast_in_dim3A_95 = vector.shape_cast %and3A_94 : vector<16xi32> to vector<16x1xi32>
      %gather3A_96 = vector.shape_cast %broadcast_in_dim3A_95 : vector<16x1xi32> to vector<16xi32>
      %gather3A_97 = tpu.dynamic_gather %get3A_9[%gather3A_96] in [0] : vector<16xi32>, vector<16xi32> -> vector<16xi32>
      %eq3A_98 = arith.cmpi eq, %gather3A_97, %get3A_9 : vector<16xi32>
      %max3A_99 = arith.maxsi %select_n3A_88, %and3A_94 : vector<16xi32>
      %select_n3A_100 = arith.select %eq3A_98, %max3A_99, %select_n3A_88 : vector<16xi1>, vector<16xi32>
      %add3A_101 = arith.constant 9 : i32
      %add3A_102 = vector.broadcast %add3A_101 : i32 to vector<16xi32>
      %add3A_103 = arith.addi %iota3A, %add3A_102 : vector<16xi32>
      %and3A_104 = arith.constant 15 : i32
      %and3A_105 = vector.broadcast %and3A_104 : i32 to vector<16xi32>
      %and3A_106 = arith.andi %add3A_103, %and3A_105 : vector<16xi32>
      %broadcast_in_dim3A_107 = vector.shape_cast %and3A_106 : vector<16xi32> to vector<16x1xi32>
      %gather3A_108 = vector.shape_cast %broadcast_in_dim3A_107 : vector<16x1xi32> to vector<16xi32>
      %gather3A_109 = tpu.dynamic_gather %get3A_9[%gather3A_108] in [0] : vector<16xi32>, vector<16xi32> -> vector<16xi32>
      %eq3A_110 = arith.cmpi eq, %gather3A_109, %get3A_9 : vector<16xi32>
      %max3A_111 = arith.maxsi %select_n3A_100, %and3A_106 : vector<16xi32>
      %select_n3A_112 = arith.select %eq3A_110, %max3A_111, %select_n3A_100 : vector<16xi1>, vector<16xi32>
      %add3A_113 = arith.constant 10 : i32
      %add3A_114 = vector.broadcast %add3A_113 : i32 to vector<16xi32>
      %add3A_115 = arith.addi %iota3A, %add3A_114 : vector<16xi32>
      %and3A_116 = arith.constant 15 : i32
      %and3A_117 = vector.broadcast %and3A_116 : i32 to vector<16xi32>
      %and3A_118 = arith.andi %add3A_115, %and3A_117 : vector<16xi32>
      %broadcast_in_dim3A_119 = vector.shape_cast %and3A_118 : vector<16xi32> to vector<16x1xi32>
      %gather3A_120 = vector.shape_cast %broadcast_in_dim3A_119 : vector<16x1xi32> to vector<16xi32>
      %gather3A_121 = tpu.dynamic_gather %get3A_9[%gather3A_120] in [0] : vector<16xi32>, vector<16xi32> -> vector<16xi32>
      %eq3A_122 = arith.cmpi eq, %gather3A_121, %get3A_9 : vector<16xi32>
      %max3A_123 = arith.maxsi %select_n3A_112, %and3A_118 : vector<16xi32>
      %select_n3A_124 = arith.select %eq3A_122, %max3A_123, %select_n3A_112 : vector<16xi1>, vector<16xi32>
      %add3A_125 = arith.constant 11 : i32
      %add3A_126 = vector.broadcast %add3A_125 : i32 to vector<16xi32>
      %add3A_127 = arith.addi %iota3A, %add3A_126 : vector<16xi32>
      %and3A_128 = arith.constant 15 : i32
      %and3A_129 = vector.broadcast %and3A_128 : i32 to vector<16xi32>
      %and3A_130 = arith.andi %add3A_127, %and3A_129 : vector<16xi32>
      %broadcast_in_dim3A_131 = vector.shape_cast %and3A_130 : vector<16xi32> to vector<16x1xi32>
      %gather3A_132 = vector.shape_cast %broadcast_in_dim3A_131 : vector<16x1xi32> to vector<16xi32>
      %gather3A_133 = tpu.dynamic_gather %get3A_9[%gather3A_132] in [0] : vector<16xi32>, vector<16xi32> -> vector<16xi32>
      %eq3A_134 = arith.cmpi eq, %gather3A_133, %get3A_9 : vector<16xi32>
      %max3A_135 = arith.maxsi %select_n3A_124, %and3A_130 : vector<16xi32>
      %select_n3A_136 = arith.select %eq3A_134, %max3A_135, %select_n3A_124 : vector<16xi1>, vector<16xi32>
      %add3A_137 = arith.constant 12 : i32
      %add3A_138 = vector.broadcast %add3A_137 : i32 to vector<16xi32>
      %add3A_139 = arith.addi %iota3A, %add3A_138 : vector<16xi32>
      %and3A_140 = arith.constant 15 : i32
      %and3A_141 = vector.broadcast %and3A_140 : i32 to vector<16xi32>
      %and3A_142 = arith.andi %add3A_139, %and3A_141 : vector<16xi32>
      %broadcast_in_dim3A_143 = vector.shape_cast %and3A_142 : vector<16xi32> to vector<16x1xi32>
      %gather3A_144 = vector.shape_cast %broadcast_in_dim3A_143 : vector<16x1xi32> to vector<16xi32>
      %gather3A_145 = tpu.dynamic_gather %get3A_9[%gather3A_144] in [0] : vector<16xi32>, vector<16xi32> -> vector<16xi32>
      %eq3A_146 = arith.cmpi eq, %gather3A_145, %get3A_9 : vector<16xi32>
      %max3A_147 = arith.maxsi %select_n3A_136, %and3A_142 : vector<16xi32>
      %select_n3A_148 = arith.select %eq3A_146, %max3A_147, %select_n3A_136 : vector<16xi1>, vector<16xi32>
      %add3A_149 = arith.constant 13 : i32
      %add3A_150 = vector.broadcast %add3A_149 : i32 to vector<16xi32>
      %add3A_151 = arith.addi %iota3A, %add3A_150 : vector<16xi32>
      %and3A_152 = arith.constant 15 : i32
      %and3A_153 = vector.broadcast %and3A_152 : i32 to vector<16xi32>
      %and3A_154 = arith.andi %add3A_151, %and3A_153 : vector<16xi32>
      %broadcast_in_dim3A_155 = vector.shape_cast %and3A_154 : vector<16xi32> to vector<16x1xi32>
      %gather3A_156 = vector.shape_cast %broadcast_in_dim3A_155 : vector<16x1xi32> to vector<16xi32>
      %gather3A_157 = tpu.dynamic_gather %get3A_9[%gather3A_156] in [0] : vector<16xi32>, vector<16xi32> -> vector<16xi32>
      %eq3A_158 = arith.cmpi eq, %gather3A_157, %get3A_9 : vector<16xi32>
      %max3A_159 = arith.maxsi %select_n3A_148, %and3A_154 : vector<16xi32>
      %select_n3A_160 = arith.select %eq3A_158, %max3A_159, %select_n3A_148 : vector<16xi1>, vector<16xi32>
      %add3A_161 = arith.constant 14 : i32
      %add3A_162 = vector.broadcast %add3A_161 : i32 to vector<16xi32>
      %add3A_163 = arith.addi %iota3A, %add3A_162 : vector<16xi32>
      %and3A_164 = arith.constant 15 : i32
      %and3A_165 = vector.broadcast %and3A_164 : i32 to vector<16xi32>
      %and3A_166 = arith.andi %add3A_163, %and3A_165 : vector<16xi32>
      %broadcast_in_dim3A_167 = vector.shape_cast %and3A_166 : vector<16xi32> to vector<16x1xi32>
      %gather3A_168 = vector.shape_cast %broadcast_in_dim3A_167 : vector<16x1xi32> to vector<16xi32>
      %gather3A_169 = tpu.dynamic_gather %get3A_9[%gather3A_168] in [0] : vector<16xi32>, vector<16xi32> -> vector<16xi32>
      %eq3A_170 = arith.cmpi eq, %gather3A_169, %get3A_9 : vector<16xi32>
      %max3A_171 = arith.maxsi %select_n3A_160, %and3A_166 : vector<16xi32>
      %select_n3A_172 = arith.select %eq3A_170, %max3A_171, %select_n3A_160 : vector<16xi1>, vector<16xi32>
      %add3A_173 = arith.constant 15 : i32
      %add3A_174 = vector.broadcast %add3A_173 : i32 to vector<16xi32>
      %add3A_175 = arith.addi %iota3A, %add3A_174 : vector<16xi32>
      %and3A_176 = arith.constant 15 : i32
      %and3A_177 = vector.broadcast %and3A_176 : i32 to vector<16xi32>
      %and3A_178 = arith.andi %add3A_175, %and3A_177 : vector<16xi32>
      %broadcast_in_dim3A_179 = vector.shape_cast %and3A_178 : vector<16xi32> to vector<16x1xi32>
      %gather3A_180 = vector.shape_cast %broadcast_in_dim3A_179 : vector<16x1xi32> to vector<16xi32>
      %gather3A_181 = tpu.dynamic_gather %get3A_9[%gather3A_180] in [0] : vector<16xi32>, vector<16xi32> -> vector<16xi32>
      %eq3A_182 = arith.cmpi eq, %gather3A_181, %get3A_9 : vector<16xi32>
      %max3A_183 = arith.maxsi %select_n3A_172, %and3A_178 : vector<16xi32>
      %select_n3A_184 = arith.select %eq3A_182, %max3A_183, %select_n3A_172 : vector<16xi1>, vector<16xi32>
      %add3A_185 = arith.constant 0 : i32
      %add3A_186 = vector.broadcast %add3A_185 : i32 to vector<16xi32>
      %add3A_187 = arith.addi %select_n3A_184, %add3A_186 : vector<16xi32>
      %swap3A = arith.constant 0 : index
      %swap3A_188 = tpu.vector_load %arg10[%swap3A] {strides = array<i32>} : memref<128xi32, #tpu.memory_space<vmem>>, vector<16xi32>,
      %swap3A_189 = vector.shape_cast %swap3A_188 : vector<16xi32> to vector<16xi32>
      %swap3A_190 = vector.shape_cast %add3A_187 : vector<16xi32> to vector<16xi32>
      tpu.vector_store %arg10[%swap3A], %swap3A_190 {strides = array<i32>} : memref<128xi32, #tpu.memory_space<vmem>>, vector<16xi32>,
      %add3A_191 = arith.constant 16 : i32
      %add3A_192 = vector.broadcast %add3A_191 : i32 to vector<16xi32>
      %add3A_193 = arith.addi %select_n3A_184, %add3A_192 : vector<16xi32>
      %swap3A_194 = arith.constant 16 : index
      %swap3A_195 = tpu.vector_load %arg10[%swap3A_194] {strides = array<i32>} : memref<128xi32, #tpu.memory_space<vmem>>, vector<16xi32>,
      %swap3A_196 = vector.shape_cast %swap3A_195 : vector<16xi32> to vector<16xi32>
      %swap3A_197 = vector.shape_cast %add3A_193 : vector<16xi32> to vector<16xi32>
      tpu.vector_store %arg10[%swap3A_194], %swap3A_197 {strides = array<i32>} : memref<128xi32, #tpu.memory_space<vmem>>, vector<16xi32>,
      %add3A_198 = arith.constant 32 : i32
      %add3A_199 = vector.broadcast %add3A_198 : i32 to vector<16xi32>
      %add3A_200 = arith.addi %select_n3A_184, %add3A_199 : vector<16xi32>
      %swap3A_201 = arith.constant 32 : index
      %swap3A_202 = tpu.vector_load %arg10[%swap3A_201] {strides = array<i32>} : memref<128xi32, #tpu.memory_space<vmem>>, vector<16xi32>,
      %swap3A_203 = vector.shape_cast %swap3A_202 : vector<16xi32> to vector<16xi32>
      %swap3A_204 = vector.shape_cast %add3A_200 : vector<16xi32> to vector<16xi32>
      tpu.vector_store %arg10[%swap3A_201], %swap3A_204 {strides = array<i32>} : memref<128xi32, #tpu.memory_space<vmem>>, vector<16xi32>,
      %add3A_205 = arith.constant 48 : i32
      %add3A_206 = vector.broadcast %add3A_205 : i32 to vector<16xi32>
      %add3A_207 = arith.addi %select_n3A_184, %add3A_206 : vector<16xi32>
      %swap3A_208 = arith.constant 48 : index
      %swap3A_209 = tpu.vector_load %arg10[%swap3A_208] {strides = array<i32>} : memref<128xi32, #tpu.memory_space<vmem>>, vector<16xi32>,
      %swap3A_210 = vector.shape_cast %swap3A_209 : vector<16xi32> to vector<16xi32>
      %swap3A_211 = vector.shape_cast %add3A_207 : vector<16xi32> to vector<16xi32>
      tpu.vector_store %arg10[%swap3A_208], %swap3A_211 {strides = array<i32>} : memref<128xi32, #tpu.memory_space<vmem>>, vector<16xi32>,
      %add3A_212 = arith.constant 64 : i32
      %add3A_213 = vector.broadcast %add3A_212 : i32 to vector<16xi32>
      %add3A_214 = arith.addi %select_n3A_184, %add3A_213 : vector<16xi32>
      %swap3A_215 = arith.constant 64 : index
      %swap3A_216 = tpu.vector_load %arg10[%swap3A_215] {strides = array<i32>} : memref<128xi32, #tpu.memory_space<vmem>>, vector<16xi32>,
      %swap3A_217 = vector.shape_cast %swap3A_216 : vector<16xi32> to vector<16xi32>
      %swap3A_218 = vector.shape_cast %add3A_214 : vector<16xi32> to vector<16xi32>
      tpu.vector_store %arg10[%swap3A_215], %swap3A_218 {strides = array<i32>} : memref<128xi32, #tpu.memory_space<vmem>>, vector<16xi32>,
      %add3A_219 = arith.constant 80 : i32
      %add3A_220 = vector.broadcast %add3A_219 : i32 to vector<16xi32>
      %add3A_221 = arith.addi %select_n3A_184, %add3A_220 : vector<16xi32>
      %swap3A_222 = arith.constant 80 : index
      %swap3A_223 = tpu.vector_load %arg10[%swap3A_222] {strides = array<i32>} : memref<128xi32, #tpu.memory_space<vmem>>, vector<16xi32>,
      %swap3A_224 = vector.shape_cast %swap3A_223 : vector<16xi32> to vector<16xi32>
      %swap3A_225 = vector.shape_cast %add3A_221 : vector<16xi32> to vector<16xi32>
      tpu.vector_store %arg10[%swap3A_222], %swap3A_225 {strides = array<i32>} : memref<128xi32, #tpu.memory_space<vmem>>, vector<16xi32>,
      %add3A_226 = arith.constant 96 : i32
      %add3A_227 = vector.broadcast %add3A_226 : i32 to vector<16xi32>
      %add3A_228 = arith.addi %select_n3A_184, %add3A_227 : vector<16xi32>
      %swap3A_229 = arith.constant 96 : index
      %swap3A_230 = tpu.vector_load %arg10[%swap3A_229] {strides = array<i32>} : memref<128xi32, #tpu.memory_space<vmem>>, vector<16xi32>,
      %swap3A_231 = vector.shape_cast %swap3A_230 : vector<16xi32> to vector<16xi32>
      %swap3A_232 = vector.shape_cast %add3A_228 : vector<16xi32> to vector<16xi32>
      tpu.vector_store %arg10[%swap3A_229], %swap3A_232 {strides = array<i32>} : memref<128xi32, #tpu.memory_space<vmem>>, vector<16xi32>,
      %add3A_233 = arith.constant 112 : i32
      %add3A_234 = vector.broadcast %add3A_233 : i32 to vector<16xi32>
      %add3A_235 = arith.addi %select_n3A_184, %add3A_234 : vector<16xi32>
      %swap3A_236 = arith.constant 112 : index
      %swap3A_237 = tpu.vector_load %arg10[%swap3A_236] {strides = array<i32>} : memref<128xi32, #tpu.memory_space<vmem>>, vector<16xi32>,
      %swap3A_238 = vector.shape_cast %swap3A_237 : vector<16xi32> to vector<16xi32>
      %swap3A_239 = vector.shape_cast %add3A_235 : vector<16xi32> to vector<16xi32>
      tpu.vector_store %arg10[%swap3A_236], %swap3A_239 {strides = array<i32>} : memref<128xi32, #tpu.memory_space<vmem>>, vector<16xi32>,
      %dma_start3A = arith.constant 0 : i32
      %dma_start3A_240 = arith.constant 0 : i32
      %dma_start3A_241 = tpu.memref_slice %arg5[%dma_start3A, %dma_start3A_240] : memref<128x128xf32, #tpu.memory_space<hbm>> -> memref<128x128xf32, #tpu.memory_space<hbm>>
      tpu.enqueue_indirect_dma source(%dma_start3A_241 : memref<128x128xf32, #tpu.memory_space<hbm>>) target(%arg11 : memref<128x128xf32, #tpu.memory_space<vmem>>) offsets(%arg10 : memref<128xi32, #tpu.memory_space<vmem>>) semaphore(%arg12 : memref<!tpu.dma_semaphore, #tpu.memory_space<semaphore_mem>>)
      %dma_wait3A = arith.constant 0 : i32
      %dma_wait3A_242 = arith.constant 0 : i32
      %dma_wait3A_243 = tpu.memref_slice %arg5[%dma_wait3A, %dma_wait3A_242] : memref<128x128xf32, #tpu.memory_space<hbm>> -> memref<128x128xf32, #tpu.memory_space<hbm>>
      tpu.wait_indirect_dma semaphore(%arg12 : memref<!tpu.dma_semaphore, #tpu.memory_space<semaphore_mem>>) src(%dma_wait3A_243 : memref<128x128xf32, #tpu.memory_space<hbm>>) dst(%arg11 : memref<128x128xf32, #tpu.memory_space<vmem>>)
      %add3A_244 = arith.constant 0 : i32
      %add3A_245 = vector.broadcast %add3A_244 : i32 to vector<16xi32>
      %add3A_246 = arith.addi %get3A_9, %add3A_245 : vector<16xi32>
      %swap3A_247 = arith.constant 0 : index
      %swap3A_248 = tpu.vector_load %arg10[%swap3A_247] {strides = array<i32>} : memref<128xi32, #tpu.memory_space<vmem>>, vector<16xi32>,
      %swap3A_249 = vector.shape_cast %swap3A_248 : vector<16xi32> to vector<16xi32>
      %swap3A_250 = vector.shape_cast %add3A_246 : vector<16xi32> to vector<16xi32>
      tpu.vector_store %arg10[%swap3A_247], %swap3A_250 {strides = array<i32>} : memref<128xi32, #tpu.memory_space<vmem>>, vector<16xi32>,
      %add3A_251 = arith.constant 8192 : i32
      %add3A_252 = vector.broadcast %add3A_251 : i32 to vector<16xi32>
      %add3A_253 = arith.addi %get3A_9, %add3A_252 : vector<16xi32>
      %swap3A_254 = arith.constant 16 : index
      %swap3A_255 = tpu.vector_load %arg10[%swap3A_254] {strides = array<i32>} : memref<128xi32, #tpu.memory_space<vmem>>, vector<16xi32>,
      %swap3A_256 = vector.shape_cast %swap3A_255 : vector<16xi32> to vector<16xi32>
      %swap3A_257 = vector.shape_cast %add3A_253 : vector<16xi32> to vector<16xi32>
      tpu.vector_store %arg10[%swap3A_254], %swap3A_257 {strides = array<i32>} : memref<128xi32, #tpu.memory_space<vmem>>, vector<16xi32>,
      %add3A_258 = arith.constant 16384 : i32
      %add3A_259 = vector.broadcast %add3A_258 : i32 to vector<16xi32>
      %add3A_260 = arith.addi %get3A_9, %add3A_259 : vector<16xi32>
      %swap3A_261 = arith.constant 32 : index
      %swap3A_262 = tpu.vector_load %arg10[%swap3A_261] {strides = array<i32>} : memref<128xi32, #tpu.memory_space<vmem>>, vector<16xi32>,
      %swap3A_263 = vector.shape_cast %swap3A_262 : vector<16xi32> to vector<16xi32>
      %swap3A_264 = vector.shape_cast %add3A_260 : vector<16xi32> to vector<16xi32>
      tpu.vector_store %arg10[%swap3A_261], %swap3A_264 {strides = array<i32>} : memref<128xi32, #tpu.memory_space<vmem>>, vector<16xi32>,
      %add3A_265 = arith.constant 24576 : i32
      %add3A_266 = vector.broadcast %add3A_265 : i32 to vector<16xi32>
      %add3A_267 = arith.addi %get3A_9, %add3A_266 : vector<16xi32>
      %swap3A_268 = arith.constant 48 : index
      %swap3A_269 = tpu.vector_load %arg10[%swap3A_268] {strides = array<i32>} : memref<128xi32, #tpu.memory_space<vmem>>, vector<16xi32>,
      %swap3A_270 = vector.shape_cast %swap3A_269 : vector<16xi32> to vector<16xi32>
      %swap3A_271 = vector.shape_cast %add3A_267 : vector<16xi32> to vector<16xi32>
      tpu.vector_store %arg10[%swap3A_268], %swap3A_271 {strides = array<i32>} : memref<128xi32, #tpu.memory_space<vmem>>, vector<16xi32>,
      %add3A_272 = arith.constant 32768 : i32
      %add3A_273 = vector.broadcast %add3A_272 : i32 to vector<16xi32>
      %add3A_274 = arith.addi %get3A_9, %add3A_273 : vector<16xi32>
      %swap3A_275 = arith.constant 64 : index
      %swap3A_276 = tpu.vector_load %arg10[%swap3A_275] {strides = array<i32>} : memref<128xi32, #tpu.memory_space<vmem>>, vector<16xi32>,
      %swap3A_277 = vector.shape_cast %swap3A_276 : vector<16xi32> to vector<16xi32>
      %swap3A_278 = vector.shape_cast %add3A_274 : vector<16xi32> to vector<16xi32>
      tpu.vector_store %arg10[%swap3A_275], %swap3A_278 {strides = array<i32>} : memref<128xi32, #tpu.memory_space<vmem>>, vector<16xi32>,
      %add3A_279 = arith.constant 40960 : i32
      %add3A_280 = vector.broadcast %add3A_279 : i32 to vector<16xi32>
      %add3A_281 = arith.addi %get3A_9, %add3A_280 : vector<16xi32>
      %swap3A_282 = arith.constant 80 : index
      %swap3A_283 = tpu.vector_load %arg10[%swap3A_282] {strides = array<i32>} : memref<128xi32, #tpu.memory_space<vmem>>, vector<16xi32>,
      %swap3A_284 = vector.shape_cast %swap3A_283 : vector<16xi32> to vector<16xi32>
      %swap3A_285 = vector.shape_cast %add3A_281 : vector<16xi32> to vector<16xi32>
      tpu.vector_store %arg10[%swap3A_282], %swap3A_285 {strides = array<i32>} : memref<128xi32, #tpu.memory_space<vmem>>, vector<16xi32>,
      %add3A_286 = arith.constant 49152 : i32
      %add3A_287 = vector.broadcast %add3A_286 : i32 to vector<16xi32>
      %add3A_288 = arith.addi %get3A_9, %add3A_287 : vector<16xi32>
      %swap3A_289 = arith.constant 96 : index
      %swap3A_290 = tpu.vector_load %arg10[%swap3A_289] {strides = array<i32>} : memref<128xi32, #tpu.memory_space<vmem>>, vector<16xi32>,
      %swap3A_291 = vector.shape_cast %swap3A_290 : vector<16xi32> to vector<16xi32>
      %swap3A_292 = vector.shape_cast %add3A_288 : vector<16xi32> to vector<16xi32>
      tpu.vector_store %arg10[%swap3A_289], %swap3A_292 {strides = array<i32>} : memref<128xi32, #tpu.memory_space<vmem>>, vector<16xi32>,
      %add3A_293 = arith.constant 57344 : i32
      %add3A_294 = vector.broadcast %add3A_293 : i32 to vector<16xi32>
      %add3A_295 = arith.addi %get3A_9, %add3A_294 : vector<16xi32>
      %swap3A_296 = arith.constant 112 : index
      %swap3A_297 = tpu.vector_load %arg10[%swap3A_296] {strides = array<i32>} : memref<128xi32, #tpu.memory_space<vmem>>, vector<16xi32>,
      %swap3A_298 = vector.shape_cast %swap3A_297 : vector<16xi32> to vector<16xi32>
      %swap3A_299 = vector.shape_cast %add3A_295 : vector<16xi32> to vector<16xi32>
      tpu.vector_store %arg10[%swap3A_296], %swap3A_299 {strides = array<i32>} : memref<128xi32, #tpu.memory_space<vmem>>, vector<16xi32>,
      %dma_start3A_300 = arith.constant 0 : i32
      %dma_start3A_301 = arith.constant 0 : i32
      %dma_start3A_302 = tpu.memref_slice %arg2[%dma_start3A_300, %dma_start3A_301] : memref<65536x128xf32, #tpu.memory_space<hbm>> -> memref<65536x128xf32, #tpu.memory_space<hbm>>
      tpu.enqueue_indirect_dma source(%arg11 : memref<128x128xf32, #tpu.memory_space<vmem>>) target(%dma_start3A_302 : memref<65536x128xf32, #tpu.memory_space<hbm>>) offsets(%arg10 : memref<128xi32, #tpu.memory_space<vmem>>) semaphore(%arg12 : memref<!tpu.dma_semaphore, #tpu.memory_space<semaphore_mem>>)
      %dma_wait3A_303 = arith.constant 0 : i32
      %dma_wait3A_304 = arith.constant 0 : i32
      %dma_wait3A_305 = tpu.memref_slice %arg2[%dma_wait3A_303, %dma_wait3A_304] : memref<65536x128xf32, #tpu.memory_space<hbm>> -> memref<65536x128xf32, #tpu.memory_space<hbm>>
      tpu.wait_indirect_dma semaphore(%arg12 : memref<!tpu.dma_semaphore, #tpu.memory_space<semaphore_mem>>) src(%arg11 : memref<128x128xf32, #tpu.memory_space<vmem>>) dst(%dma_wait3A_305 : memref<65536x128xf32, #tpu.memory_space<hbm>>)
    } else {
    }
    %eq3A_3 = arith.constant 1 : i32
    %eq3A_4 = arith.cmpi eq, %add3A, %eq3A_3 : i32
    %convert_element_type3A_5 = arith.extui %eq3A_4 : i1 to i32
    %cond3A_6 = arith.constant 0 : i32
    %cond3A_7 = arith.cmpi ne, %convert_element_type3A_5, %cond3A_6 : i32
    scf.if %cond3A_7 {
      "tpu.region"() ({
        %run_scoped3A = tpu.sem_alloc : memref<!tpu.dma_semaphore, #tpu.memory_space<semaphore_mem>>
        tpu.enqueue_dma source(%arg4 : memref<16xi32, #tpu.memory_space<hbm>>) target(%arg9 : memref<16xi32, #tpu.memory_space<vmem>>) target_semaphore(%run_scoped3A : memref<!tpu.dma_semaphore, #tpu.memory_space<semaphore_mem>>)
        tpu.wait_dma2 semaphore(%run_scoped3A : memref<!tpu.dma_semaphore, #tpu.memory_space<semaphore_mem>>) src(%arg4 : memref<16xi32, #tpu.memory_space<hbm>>) dst(%arg9 : memref<16xi32, #tpu.memory_space<vmem>>)
        tpu.yield
      }) : () -> ()
      %iota3A = tpu.iota {dimensions = array<i32: 0>} : vector<16xi32>
      %get3A = arith.constant 0 : index
      %get3A_8 = tpu.vector_load %arg9[%get3A] {strides = array<i32>} : memref<16xi32, #tpu.memory_space<vmem>>, vector<16xi32>,
      %get3A_9 = vector.shape_cast %get3A_8 : vector<16xi32> to vector<16xi32>
      %add3A_10 = arith.constant 1 : i32
      %add3A_11 = vector.broadcast %add3A_10 : i32 to vector<16xi32>
      %add3A_12 = arith.addi %iota3A, %add3A_11 : vector<16xi32>
      %and3A = arith.constant 15 : i32
      %and3A_13 = vector.broadcast %and3A : i32 to vector<16xi32>
      %and3A_14 = arith.andi %add3A_12, %and3A_13 : vector<16xi32>
      %broadcast_in_dim3A = vector.shape_cast %and3A_14 : vector<16xi32> to vector<16x1xi32>
      %gather3A = vector.shape_cast %broadcast_in_dim3A : vector<16x1xi32> to vector<16xi32>
      %gather3A_15 = tpu.dynamic_gather %get3A_9[%gather3A] in [0] : vector<16xi32>, vector<16xi32> -> vector<16xi32>
      %eq3A_16 = arith.cmpi eq, %gather3A_15, %get3A_9 : vector<16xi32>
      %max3A = arith.maxsi %iota3A, %and3A_14 : vector<16xi32>
      %select_n3A = arith.select %eq3A_16, %max3A, %iota3A : vector<16xi1>, vector<16xi32>
      %add3A_17 = arith.constant 2 : i32
      %add3A_18 = vector.broadcast %add3A_17 : i32 to vector<16xi32>
      %add3A_19 = arith.addi %iota3A, %add3A_18 : vector<16xi32>
      %and3A_20 = arith.constant 15 : i32
      %and3A_21 = vector.broadcast %and3A_20 : i32 to vector<16xi32>
      %and3A_22 = arith.andi %add3A_19, %and3A_21 : vector<16xi32>
      %broadcast_in_dim3A_23 = vector.shape_cast %and3A_22 : vector<16xi32> to vector<16x1xi32>
      %gather3A_24 = vector.shape_cast %broadcast_in_dim3A_23 : vector<16x1xi32> to vector<16xi32>
      %gather3A_25 = tpu.dynamic_gather %get3A_9[%gather3A_24] in [0] : vector<16xi32>, vector<16xi32> -> vector<16xi32>
      %eq3A_26 = arith.cmpi eq, %gather3A_25, %get3A_9 : vector<16xi32>
      %max3A_27 = arith.maxsi %select_n3A, %and3A_22 : vector<16xi32>
      %select_n3A_28 = arith.select %eq3A_26, %max3A_27, %select_n3A : vector<16xi1>, vector<16xi32>
      %add3A_29 = arith.constant 3 : i32
      %add3A_30 = vector.broadcast %add3A_29 : i32 to vector<16xi32>
      %add3A_31 = arith.addi %iota3A, %add3A_30 : vector<16xi32>
      %and3A_32 = arith.constant 15 : i32
      %and3A_33 = vector.broadcast %and3A_32 : i32 to vector<16xi32>
      %and3A_34 = arith.andi %add3A_31, %and3A_33 : vector<16xi32>
      %broadcast_in_dim3A_35 = vector.shape_cast %and3A_34 : vector<16xi32> to vector<16x1xi32>
      %gather3A_36 = vector.shape_cast %broadcast_in_dim3A_35 : vector<16x1xi32> to vector<16xi32>
      %gather3A_37 = tpu.dynamic_gather %get3A_9[%gather3A_36] in [0] : vector<16xi32>, vector<16xi32> -> vector<16xi32>
      %eq3A_38 = arith.cmpi eq, %gather3A_37, %get3A_9 : vector<16xi32>
      %max3A_39 = arith.maxsi %select_n3A_28, %and3A_34 : vector<16xi32>
      %select_n3A_40 = arith.select %eq3A_38, %max3A_39, %select_n3A_28 : vector<16xi1>, vector<16xi32>
      %add3A_41 = arith.constant 4 : i32
      %add3A_42 = vector.broadcast %add3A_41 : i32 to vector<16xi32>
      %add3A_43 = arith.addi %iota3A, %add3A_42 : vector<16xi32>
      %and3A_44 = arith.constant 15 : i32
      %and3A_45 = vector.broadcast %and3A_44 : i32 to vector<16xi32>
      %and3A_46 = arith.andi %add3A_43, %and3A_45 : vector<16xi32>
      %broadcast_in_dim3A_47 = vector.shape_cast %and3A_46 : vector<16xi32> to vector<16x1xi32>
      %gather3A_48 = vector.shape_cast %broadcast_in_dim3A_47 : vector<16x1xi32> to vector<16xi32>
      %gather3A_49 = tpu.dynamic_gather %get3A_9[%gather3A_48] in [0] : vector<16xi32>, vector<16xi32> -> vector<16xi32>
      %eq3A_50 = arith.cmpi eq, %gather3A_49, %get3A_9 : vector<16xi32>
      %max3A_51 = arith.maxsi %select_n3A_40, %and3A_46 : vector<16xi32>
      %select_n3A_52 = arith.select %eq3A_50, %max3A_51, %select_n3A_40 : vector<16xi1>, vector<16xi32>
      %add3A_53 = arith.constant 5 : i32
      %add3A_54 = vector.broadcast %add3A_53 : i32 to vector<16xi32>
      %add3A_55 = arith.addi %iota3A, %add3A_54 : vector<16xi32>
      %and3A_56 = arith.constant 15 : i32
      %and3A_57 = vector.broadcast %and3A_56 : i32 to vector<16xi32>
      %and3A_58 = arith.andi %add3A_55, %and3A_57 : vector<16xi32>
      %broadcast_in_dim3A_59 = vector.shape_cast %and3A_58 : vector<16xi32> to vector<16x1xi32>
      %gather3A_60 = vector.shape_cast %broadcast_in_dim3A_59 : vector<16x1xi32> to vector<16xi32>
      %gather3A_61 = tpu.dynamic_gather %get3A_9[%gather3A_60] in [0] : vector<16xi32>, vector<16xi32> -> vector<16xi32>
      %eq3A_62 = arith.cmpi eq, %gather3A_61, %get3A_9 : vector<16xi32>
      %max3A_63 = arith.maxsi %select_n3A_52, %and3A_58 : vector<16xi32>
      %select_n3A_64 = arith.select %eq3A_62, %max3A_63, %select_n3A_52 : vector<16xi1>, vector<16xi32>
      %add3A_65 = arith.constant 6 : i32
      %add3A_66 = vector.broadcast %add3A_65 : i32 to vector<16xi32>
      %add3A_67 = arith.addi %iota3A, %add3A_66 : vector<16xi32>
      %and3A_68 = arith.constant 15 : i32
      %and3A_69 = vector.broadcast %and3A_68 : i32 to vector<16xi32>
      %and3A_70 = arith.andi %add3A_67, %and3A_69 : vector<16xi32>
      %broadcast_in_dim3A_71 = vector.shape_cast %and3A_70 : vector<16xi32> to vector<16x1xi32>
      %gather3A_72 = vector.shape_cast %broadcast_in_dim3A_71 : vector<16x1xi32> to vector<16xi32>
      %gather3A_73 = tpu.dynamic_gather %get3A_9[%gather3A_72] in [0] : vector<16xi32>, vector<16xi32> -> vector<16xi32>
      %eq3A_74 = arith.cmpi eq, %gather3A_73, %get3A_9 : vector<16xi32>
      %max3A_75 = arith.maxsi %select_n3A_64, %and3A_70 : vector<16xi32>
      %select_n3A_76 = arith.select %eq3A_74, %max3A_75, %select_n3A_64 : vector<16xi1>, vector<16xi32>
      %add3A_77 = arith.constant 7 : i32
      %add3A_78 = vector.broadcast %add3A_77 : i32 to vector<16xi32>
      %add3A_79 = arith.addi %iota3A, %add3A_78 : vector<16xi32>
      %and3A_80 = arith.constant 15 : i32
      %and3A_81 = vector.broadcast %and3A_80 : i32 to vector<16xi32>
      %and3A_82 = arith.andi %add3A_79, %and3A_81 : vector<16xi32>
      %broadcast_in_dim3A_83 = vector.shape_cast %and3A_82 : vector<16xi32> to vector<16x1xi32>
      %gather3A_84 = vector.shape_cast %broadcast_in_dim3A_83 : vector<16x1xi32> to vector<16xi32>
      %gather3A_85 = tpu.dynamic_gather %get3A_9[%gather3A_84] in [0] : vector<16xi32>, vector<16xi32> -> vector<16xi32>
      %eq3A_86 = arith.cmpi eq, %gather3A_85, %get3A_9 : vector<16xi32>
      %max3A_87 = arith.maxsi %select_n3A_76, %and3A_82 : vector<16xi32>
      %select_n3A_88 = arith.select %eq3A_86, %max3A_87, %select_n3A_76 : vector<16xi1>, vector<16xi32>
      %add3A_89 = arith.constant 8 : i32
      %add3A_90 = vector.broadcast %add3A_89 : i32 to vector<16xi32>
      %add3A_91 = arith.addi %iota3A, %add3A_90 : vector<16xi32>
      %and3A_92 = arith.constant 15 : i32
      %and3A_93 = vector.broadcast %and3A_92 : i32 to vector<16xi32>
      %and3A_94 = arith.andi %add3A_91, %and3A_93 : vector<16xi32>
      %broadcast_in_dim3A_95 = vector.shape_cast %and3A_94 : vector<16xi32> to vector<16x1xi32>
      %gather3A_96 = vector.shape_cast %broadcast_in_dim3A_95 : vector<16x1xi32> to vector<16xi32>
      %gather3A_97 = tpu.dynamic_gather %get3A_9[%gather3A_96] in [0] : vector<16xi32>, vector<16xi32> -> vector<16xi32>
      %eq3A_98 = arith.cmpi eq, %gather3A_97, %get3A_9 : vector<16xi32>
      %max3A_99 = arith.maxsi %select_n3A_88, %and3A_94 : vector<16xi32>
      %select_n3A_100 = arith.select %eq3A_98, %max3A_99, %select_n3A_88 : vector<16xi1>, vector<16xi32>
      %add3A_101 = arith.constant 9 : i32
      %add3A_102 = vector.broadcast %add3A_101 : i32 to vector<16xi32>
      %add3A_103 = arith.addi %iota3A, %add3A_102 : vector<16xi32>
      %and3A_104 = arith.constant 15 : i32
      %and3A_105 = vector.broadcast %and3A_104 : i32 to vector<16xi32>
      %and3A_106 = arith.andi %add3A_103, %and3A_105 : vector<16xi32>
      %broadcast_in_dim3A_107 = vector.shape_cast %and3A_106 : vector<16xi32> to vector<16x1xi32>
      %gather3A_108 = vector.shape_cast %broadcast_in_dim3A_107 : vector<16x1xi32> to vector<16xi32>
      %gather3A_109 = tpu.dynamic_gather %get3A_9[%gather3A_108] in [0] : vector<16xi32>, vector<16xi32> -> vector<16xi32>
      %eq3A_110 = arith.cmpi eq, %gather3A_109, %get3A_9 : vector<16xi32>
      %max3A_111 = arith.maxsi %select_n3A_100, %and3A_106 : vector<16xi32>
      %select_n3A_112 = arith.select %eq3A_110, %max3A_111, %select_n3A_100 : vector<16xi1>, vector<16xi32>
      %add3A_113 = arith.constant 10 : i32
      %add3A_114 = vector.broadcast %add3A_113 : i32 to vector<16xi32>
      %add3A_115 = arith.addi %iota3A, %add3A_114 : vector<16xi32>
      %and3A_116 = arith.constant 15 : i32
      %and3A_117 = vector.broadcast %and3A_116 : i32 to vector<16xi32>
      %and3A_118 = arith.andi %add3A_115, %and3A_117 : vector<16xi32>
      %broadcast_in_dim3A_119 = vector.shape_cast %and3A_118 : vector<16xi32> to vector<16x1xi32>
      %gather3A_120 = vector.shape_cast %broadcast_in_dim3A_119 : vector<16x1xi32> to vector<16xi32>
      %gather3A_121 = tpu.dynamic_gather %get3A_9[%gather3A_120] in [0] : vector<16xi32>, vector<16xi32> -> vector<16xi32>
      %eq3A_122 = arith.cmpi eq, %gather3A_121, %get3A_9 : vector<16xi32>
      %max3A_123 = arith.maxsi %select_n3A_112, %and3A_118 : vector<16xi32>
      %select_n3A_124 = arith.select %eq3A_122, %max3A_123, %select_n3A_112 : vector<16xi1>, vector<16xi32>
      %add3A_125 = arith.constant 11 : i32
      %add3A_126 = vector.broadcast %add3A_125 : i32 to vector<16xi32>
      %add3A_127 = arith.addi %iota3A, %add3A_126 : vector<16xi32>
      %and3A_128 = arith.constant 15 : i32
      %and3A_129 = vector.broadcast %and3A_128 : i32 to vector<16xi32>
      %and3A_130 = arith.andi %add3A_127, %and3A_129 : vector<16xi32>
      %broadcast_in_dim3A_131 = vector.shape_cast %and3A_130 : vector<16xi32> to vector<16x1xi32>
      %gather3A_132 = vector.shape_cast %broadcast_in_dim3A_131 : vector<16x1xi32> to vector<16xi32>
      %gather3A_133 = tpu.dynamic_gather %get3A_9[%gather3A_132] in [0] : vector<16xi32>, vector<16xi32> -> vector<16xi32>
      %eq3A_134 = arith.cmpi eq, %gather3A_133, %get3A_9 : vector<16xi32>
      %max3A_135 = arith.maxsi %select_n3A_124, %and3A_130 : vector<16xi32>
      %select_n3A_136 = arith.select %eq3A_134, %max3A_135, %select_n3A_124 : vector<16xi1>, vector<16xi32>
      %add3A_137 = arith.constant 12 : i32
      %add3A_138 = vector.broadcast %add3A_137 : i32 to vector<16xi32>
      %add3A_139 = arith.addi %iota3A, %add3A_138 : vector<16xi32>
      %and3A_140 = arith.constant 15 : i32
      %and3A_141 = vector.broadcast %and3A_140 : i32 to vector<16xi32>
      %and3A_142 = arith.andi %add3A_139, %and3A_141 : vector<16xi32>
      %broadcast_in_dim3A_143 = vector.shape_cast %and3A_142 : vector<16xi32> to vector<16x1xi32>
      %gather3A_144 = vector.shape_cast %broadcast_in_dim3A_143 : vector<16x1xi32> to vector<16xi32>
      %gather3A_145 = tpu.dynamic_gather %get3A_9[%gather3A_144] in [0] : vector<16xi32>, vector<16xi32> -> vector<16xi32>
      %eq3A_146 = arith.cmpi eq, %gather3A_145, %get3A_9 : vector<16xi32>
      %max3A_147 = arith.maxsi %select_n3A_136, %and3A_142 : vector<16xi32>
      %select_n3A_148 = arith.select %eq3A_146, %max3A_147, %select_n3A_136 : vector<16xi1>, vector<16xi32>
      %add3A_149 = arith.constant 13 : i32
      %add3A_150 = vector.broadcast %add3A_149 : i32 to vector<16xi32>
      %add3A_151 = arith.addi %iota3A, %add3A_150 : vector<16xi32>
      %and3A_152 = arith.constant 15 : i32
      %and3A_153 = vector.broadcast %and3A_152 : i32 to vector<16xi32>
      %and3A_154 = arith.andi %add3A_151, %and3A_153 : vector<16xi32>
      %broadcast_in_dim3A_155 = vector.shape_cast %and3A_154 : vector<16xi32> to vector<16x1xi32>
      %gather3A_156 = vector.shape_cast %broadcast_in_dim3A_155 : vector<16x1xi32> to vector<16xi32>
      %gather3A_157 = tpu.dynamic_gather %get3A_9[%gather3A_156] in [0] : vector<16xi32>, vector<16xi32> -> vector<16xi32>
      %eq3A_158 = arith.cmpi eq, %gather3A_157, %get3A_9 : vector<16xi32>
      %max3A_159 = arith.maxsi %select_n3A_148, %and3A_154 : vector<16xi32>
      %select_n3A_160 = arith.select %eq3A_158, %max3A_159, %select_n3A_148 : vector<16xi1>, vector<16xi32>
      %add3A_161 = arith.constant 14 : i32
      %add3A_162 = vector.broadcast %add3A_161 : i32 to vector<16xi32>
      %add3A_163 = arith.addi %iota3A, %add3A_162 : vector<16xi32>
      %and3A_164 = arith.constant 15 : i32
      %and3A_165 = vector.broadcast %and3A_164 : i32 to vector<16xi32>
      %and3A_166 = arith.andi %add3A_163, %and3A_165 : vector<16xi32>
      %broadcast_in_dim3A_167 = vector.shape_cast %and3A_166 : vector<16xi32> to vector<16x1xi32>
      %gather3A_168 = vector.shape_cast %broadcast_in_dim3A_167 : vector<16x1xi32> to vector<16xi32>
      %gather3A_169 = tpu.dynamic_gather %get3A_9[%gather3A_168] in [0] : vector<16xi32>, vector<16xi32> -> vector<16xi32>
      %eq3A_170 = arith.cmpi eq, %gather3A_169, %get3A_9 : vector<16xi32>
      %max3A_171 = arith.maxsi %select_n3A_160, %and3A_166 : vector<16xi32>
      %select_n3A_172 = arith.select %eq3A_170, %max3A_171, %select_n3A_160 : vector<16xi1>, vector<16xi32>
      %add3A_173 = arith.constant 15 : i32
      %add3A_174 = vector.broadcast %add3A_173 : i32 to vector<16xi32>
      %add3A_175 = arith.addi %iota3A, %add3A_174 : vector<16xi32>
      %and3A_176 = arith.constant 15 : i32
      %and3A_177 = vector.broadcast %and3A_176 : i32 to vector<16xi32>
      %and3A_178 = arith.andi %add3A_175, %and3A_177 : vector<16xi32>
      %broadcast_in_dim3A_179 = vector.shape_cast %and3A_178 : vector<16xi32> to vector<16x1xi32>
      %gather3A_180 = vector.shape_cast %broadcast_in_dim3A_179 : vector<16x1xi32> to vector<16xi32>
      %gather3A_181 = tpu.dynamic_gather %get3A_9[%gather3A_180] in [0] : vector<16xi32>, vector<16xi32> -> vector<16xi32>
      %eq3A_182 = arith.cmpi eq, %gather3A_181, %get3A_9 : vector<16xi32>
      %max3A_183 = arith.maxsi %select_n3A_172, %and3A_178 : vector<16xi32>
      %select_n3A_184 = arith.select %eq3A_182, %max3A_183, %select_n3A_172 : vector<16xi1>, vector<16xi32>
      %add3A_185 = arith.constant 0 : i32
      %add3A_186 = vector.broadcast %add3A_185 : i32 to vector<16xi32>
      %add3A_187 = arith.addi %select_n3A_184, %add3A_186 : vector<16xi32>
      %swap3A = arith.constant 0 : index
      %swap3A_188 = tpu.vector_load %arg10[%swap3A] {strides = array<i32>} : memref<128xi32, #tpu.memory_space<vmem>>, vector<16xi32>,
      %swap3A_189 = vector.shape_cast %swap3A_188 : vector<16xi32> to vector<16xi32>
      %swap3A_190 = vector.shape_cast %add3A_187 : vector<16xi32> to vector<16xi32>
      tpu.vector_store %arg10[%swap3A], %swap3A_190 {strides = array<i32>} : memref<128xi32, #tpu.memory_space<vmem>>, vector<16xi32>,
      %add3A_191 = arith.constant 16 : i32
      %add3A_192 = vector.broadcast %add3A_191 : i32 to vector<16xi32>
      %add3A_193 = arith.addi %select_n3A_184, %add3A_192 : vector<16xi32>
      %swap3A_194 = arith.constant 16 : index
      %swap3A_195 = tpu.vector_load %arg10[%swap3A_194] {strides = array<i32>} : memref<128xi32, #tpu.memory_space<vmem>>, vector<16xi32>,
      %swap3A_196 = vector.shape_cast %swap3A_195 : vector<16xi32> to vector<16xi32>
      %swap3A_197 = vector.shape_cast %add3A_193 : vector<16xi32> to vector<16xi32>
      tpu.vector_store %arg10[%swap3A_194], %swap3A_197 {strides = array<i32>} : memref<128xi32, #tpu.memory_space<vmem>>, vector<16xi32>,
      %add3A_198 = arith.constant 32 : i32
      %add3A_199 = vector.broadcast %add3A_198 : i32 to vector<16xi32>
      %add3A_200 = arith.addi %select_n3A_184, %add3A_199 : vector<16xi32>
      %swap3A_201 = arith.constant 32 : index
      %swap3A_202 = tpu.vector_load %arg10[%swap3A_201] {strides = array<i32>} : memref<128xi32, #tpu.memory_space<vmem>>, vector<16xi32>,
      %swap3A_203 = vector.shape_cast %swap3A_202 : vector<16xi32> to vector<16xi32>
      %swap3A_204 = vector.shape_cast %add3A_200 : vector<16xi32> to vector<16xi32>
      tpu.vector_store %arg10[%swap3A_201], %swap3A_204 {strides = array<i32>} : memref<128xi32, #tpu.memory_space<vmem>>, vector<16xi32>,
      %add3A_205 = arith.constant 48 : i32
      %add3A_206 = vector.broadcast %add3A_205 : i32 to vector<16xi32>
      %add3A_207 = arith.addi %select_n3A_184, %add3A_206 : vector<16xi32>
      %swap3A_208 = arith.constant 48 : index
      %swap3A_209 = tpu.vector_load %arg10[%swap3A_208] {strides = array<i32>} : memref<128xi32, #tpu.memory_space<vmem>>, vector<16xi32>,
      %swap3A_210 = vector.shape_cast %swap3A_209 : vector<16xi32> to vector<16xi32>
      %swap3A_211 = vector.shape_cast %add3A_207 : vector<16xi32> to vector<16xi32>
      tpu.vector_store %arg10[%swap3A_208], %swap3A_211 {strides = array<i32>} : memref<128xi32, #tpu.memory_space<vmem>>, vector<16xi32>,
      %add3A_212 = arith.constant 64 : i32
      %add3A_213 = vector.broadcast %add3A_212 : i32 to vector<16xi32>
      %add3A_214 = arith.addi %select_n3A_184, %add3A_213 : vector<16xi32>
      %swap3A_215 = arith.constant 64 : index
      %swap3A_216 = tpu.vector_load %arg10[%swap3A_215] {strides = array<i32>} : memref<128xi32, #tpu.memory_space<vmem>>, vector<16xi32>,
      %swap3A_217 = vector.shape_cast %swap3A_216 : vector<16xi32> to vector<16xi32>
      %swap3A_218 = vector.shape_cast %add3A_214 : vector<16xi32> to vector<16xi32>
      tpu.vector_store %arg10[%swap3A_215], %swap3A_218 {strides = array<i32>} : memref<128xi32, #tpu.memory_space<vmem>>, vector<16xi32>,
      %add3A_219 = arith.constant 80 : i32
      %add3A_220 = vector.broadcast %add3A_219 : i32 to vector<16xi32>
      %add3A_221 = arith.addi %select_n3A_184, %add3A_220 : vector<16xi32>
      %swap3A_222 = arith.constant 80 : index
      %swap3A_223 = tpu.vector_load %arg10[%swap3A_222] {strides = array<i32>} : memref<128xi32, #tpu.memory_space<vmem>>, vector<16xi32>,
      %swap3A_224 = vector.shape_cast %swap3A_223 : vector<16xi32> to vector<16xi32>
      %swap3A_225 = vector.shape_cast %add3A_221 : vector<16xi32> to vector<16xi32>
      tpu.vector_store %arg10[%swap3A_222], %swap3A_225 {strides = array<i32>} : memref<128xi32, #tpu.memory_space<vmem>>, vector<16xi32>,
      %add3A_226 = arith.constant 96 : i32
      %add3A_227 = vector.broadcast %add3A_226 : i32 to vector<16xi32>
      %add3A_228 = arith.addi %select_n3A_184, %add3A_227 : vector<16xi32>
      %swap3A_229 = arith.constant 96 : index
      %swap3A_230 = tpu.vector_load %arg10[%swap3A_229] {strides = array<i32>} : memref<128xi32, #tpu.memory_space<vmem>>, vector<16xi32>,
      %swap3A_231 = vector.shape_cast %swap3A_230 : vector<16xi32> to vector<16xi32>
      %swap3A_232 = vector.shape_cast %add3A_228 : vector<16xi32> to vector<16xi32>
      tpu.vector_store %arg10[%swap3A_229], %swap3A_232 {strides = array<i32>} : memref<128xi32, #tpu.memory_space<vmem>>, vector<16xi32>,
      %add3A_233 = arith.constant 112 : i32
      %add3A_234 = vector.broadcast %add3A_233 : i32 to vector<16xi32>
      %add3A_235 = arith.addi %select_n3A_184, %add3A_234 : vector<16xi32>
      %swap3A_236 = arith.constant 112 : index
      %swap3A_237 = tpu.vector_load %arg10[%swap3A_236] {strides = array<i32>} : memref<128xi32, #tpu.memory_space<vmem>>, vector<16xi32>,
      %swap3A_238 = vector.shape_cast %swap3A_237 : vector<16xi32> to vector<16xi32>
      %swap3A_239 = vector.shape_cast %add3A_235 : vector<16xi32> to vector<16xi32>
      tpu.vector_store %arg10[%swap3A_236], %swap3A_239 {strides = array<i32>} : memref<128xi32, #tpu.memory_space<vmem>>, vector<16xi32>,
      %dma_start3A = arith.constant 0 : i32
      %dma_start3A_240 = arith.constant 0 : i32
      %dma_start3A_241 = tpu.memref_slice %arg6[%dma_start3A, %dma_start3A_240] : memref<128x128xf32, #tpu.memory_space<hbm>> -> memref<128x128xf32, #tpu.memory_space<hbm>>
      tpu.enqueue_indirect_dma source(%dma_start3A_241 : memref<128x128xf32, #tpu.memory_space<hbm>>) target(%arg11 : memref<128x128xf32, #tpu.memory_space<vmem>>) offsets(%arg10 : memref<128xi32, #tpu.memory_space<vmem>>) semaphore(%arg12 : memref<!tpu.dma_semaphore, #tpu.memory_space<semaphore_mem>>)
      %dma_wait3A = arith.constant 0 : i32
      %dma_wait3A_242 = arith.constant 0 : i32
      %dma_wait3A_243 = tpu.memref_slice %arg6[%dma_wait3A, %dma_wait3A_242] : memref<128x128xf32, #tpu.memory_space<hbm>> -> memref<128x128xf32, #tpu.memory_space<hbm>>
      tpu.wait_indirect_dma semaphore(%arg12 : memref<!tpu.dma_semaphore, #tpu.memory_space<semaphore_mem>>) src(%dma_wait3A_243 : memref<128x128xf32, #tpu.memory_space<hbm>>) dst(%arg11 : memref<128x128xf32, #tpu.memory_space<vmem>>)
      %add3A_244 = arith.constant 0 : i32
      %add3A_245 = vector.broadcast %add3A_244 : i32 to vector<16xi32>
      %add3A_246 = arith.addi %get3A_9, %add3A_245 : vector<16xi32>
      %swap3A_247 = arith.constant 0 : index
      %swap3A_248 = tpu.vector_load %arg10[%swap3A_247] {strides = array<i32>} : memref<128xi32, #tpu.memory_space<vmem>>, vector<16xi32>,
      %swap3A_249 = vector.shape_cast %swap3A_248 : vector<16xi32> to vector<16xi32>
      %swap3A_250 = vector.shape_cast %add3A_246 : vector<16xi32> to vector<16xi32>
      tpu.vector_store %arg10[%swap3A_247], %swap3A_250 {strides = array<i32>} : memref<128xi32, #tpu.memory_space<vmem>>, vector<16xi32>,
      %add3A_251 = arith.constant 8192 : i32
      %add3A_252 = vector.broadcast %add3A_251 : i32 to vector<16xi32>
      %add3A_253 = arith.addi %get3A_9, %add3A_252 : vector<16xi32>
      %swap3A_254 = arith.constant 16 : index
      %swap3A_255 = tpu.vector_load %arg10[%swap3A_254] {strides = array<i32>} : memref<128xi32, #tpu.memory_space<vmem>>, vector<16xi32>,
      %swap3A_256 = vector.shape_cast %swap3A_255 : vector<16xi32> to vector<16xi32>
      %swap3A_257 = vector.shape_cast %add3A_253 : vector<16xi32> to vector<16xi32>
      tpu.vector_store %arg10[%swap3A_254], %swap3A_257 {strides = array<i32>} : memref<128xi32, #tpu.memory_space<vmem>>, vector<16xi32>,
      %add3A_258 = arith.constant 16384 : i32
      %add3A_259 = vector.broadcast %add3A_258 : i32 to vector<16xi32>
      %add3A_260 = arith.addi %get3A_9, %add3A_259 : vector<16xi32>
      %swap3A_261 = arith.constant 32 : index
      %swap3A_262 = tpu.vector_load %arg10[%swap3A_261] {strides = array<i32>} : memref<128xi32, #tpu.memory_space<vmem>>, vector<16xi32>,
      %swap3A_263 = vector.shape_cast %swap3A_262 : vector<16xi32> to vector<16xi32>
      %swap3A_264 = vector.shape_cast %add3A_260 : vector<16xi32> to vector<16xi32>
      tpu.vector_store %arg10[%swap3A_261], %swap3A_264 {strides = array<i32>} : memref<128xi32, #tpu.memory_space<vmem>>, vector<16xi32>,
      %add3A_265 = arith.constant 24576 : i32
      %add3A_266 = vector.broadcast %add3A_265 : i32 to vector<16xi32>
      %add3A_267 = arith.addi %get3A_9, %add3A_266 : vector<16xi32>
      %swap3A_268 = arith.constant 48 : index
      %swap3A_269 = tpu.vector_load %arg10[%swap3A_268] {strides = array<i32>} : memref<128xi32, #tpu.memory_space<vmem>>, vector<16xi32>,
      %swap3A_270 = vector.shape_cast %swap3A_269 : vector<16xi32> to vector<16xi32>
      %swap3A_271 = vector.shape_cast %add3A_267 : vector<16xi32> to vector<16xi32>
      tpu.vector_store %arg10[%swap3A_268], %swap3A_271 {strides = array<i32>} : memref<128xi32, #tpu.memory_space<vmem>>, vector<16xi32>,
      %add3A_272 = arith.constant 32768 : i32
      %add3A_273 = vector.broadcast %add3A_272 : i32 to vector<16xi32>
      %add3A_274 = arith.addi %get3A_9, %add3A_273 : vector<16xi32>
      %swap3A_275 = arith.constant 64 : index
      %swap3A_276 = tpu.vector_load %arg10[%swap3A_275] {strides = array<i32>} : memref<128xi32, #tpu.memory_space<vmem>>, vector<16xi32>,
      %swap3A_277 = vector.shape_cast %swap3A_276 : vector<16xi32> to vector<16xi32>
      %swap3A_278 = vector.shape_cast %add3A_274 : vector<16xi32> to vector<16xi32>
      tpu.vector_store %arg10[%swap3A_275], %swap3A_278 {strides = array<i32>} : memref<128xi32, #tpu.memory_space<vmem>>, vector<16xi32>,
      %add3A_279 = arith.constant 40960 : i32
      %add3A_280 = vector.broadcast %add3A_279 : i32 to vector<16xi32>
      %add3A_281 = arith.addi %get3A_9, %add3A_280 : vector<16xi32>
      %swap3A_282 = arith.constant 80 : index
      %swap3A_283 = tpu.vector_load %arg10[%swap3A_282] {strides = array<i32>} : memref<128xi32, #tpu.memory_space<vmem>>, vector<16xi32>,
      %swap3A_284 = vector.shape_cast %swap3A_283 : vector<16xi32> to vector<16xi32>
      %swap3A_285 = vector.shape_cast %add3A_281 : vector<16xi32> to vector<16xi32>
      tpu.vector_store %arg10[%swap3A_282], %swap3A_285 {strides = array<i32>} : memref<128xi32, #tpu.memory_space<vmem>>, vector<16xi32>,
      %add3A_286 = arith.constant 49152 : i32
      %add3A_287 = vector.broadcast %add3A_286 : i32 to vector<16xi32>
      %add3A_288 = arith.addi %get3A_9, %add3A_287 : vector<16xi32>
      %swap3A_289 = arith.constant 96 : index
      %swap3A_290 = tpu.vector_load %arg10[%swap3A_289] {strides = array<i32>} : memref<128xi32, #tpu.memory_space<vmem>>, vector<16xi32>,
      %swap3A_291 = vector.shape_cast %swap3A_290 : vector<16xi32> to vector<16xi32>
      %swap3A_292 = vector.shape_cast %add3A_288 : vector<16xi32> to vector<16xi32>
      tpu.vector_store %arg10[%swap3A_289], %swap3A_292 {strides = array<i32>} : memref<128xi32, #tpu.memory_space<vmem>>, vector<16xi32>,
      %add3A_293 = arith.constant 57344 : i32
      %add3A_294 = vector.broadcast %add3A_293 : i32 to vector<16xi32>
      %add3A_295 = arith.addi %get3A_9, %add3A_294 : vector<16xi32>
      %swap3A_296 = arith.constant 112 : index
      %swap3A_297 = tpu.vector_load %arg10[%swap3A_296] {strides = array<i32>} : memref<128xi32, #tpu.memory_space<vmem>>, vector<16xi32>,
      %swap3A_298 = vector.shape_cast %swap3A_297 : vector<16xi32> to vector<16xi32>
      %swap3A_299 = vector.shape_cast %add3A_295 : vector<16xi32> to vector<16xi32>
      tpu.vector_store %arg10[%swap3A_296], %swap3A_299 {strides = array<i32>} : memref<128xi32, #tpu.memory_space<vmem>>, vector<16xi32>,
      %dma_start3A_300 = arith.constant 0 : i32
      %dma_start3A_301 = arith.constant 0 : i32
      %dma_start3A_302 = tpu.memref_slice %arg3[%dma_start3A_300, %dma_start3A_301] : memref<65536x128xf32, #tpu.memory_space<hbm>> -> memref<65536x128xf32, #tpu.memory_space<hbm>>
      tpu.enqueue_indirect_dma source(%arg11 : memref<128x128xf32, #tpu.memory_space<vmem>>) target(%dma_start3A_302 : memref<65536x128xf32, #tpu.memory_space<hbm>>) offsets(%arg10 : memref<128xi32, #tpu.memory_space<vmem>>) semaphore(%arg12 : memref<!tpu.dma_semaphore, #tpu.memory_space<semaphore_mem>>)
      %dma_wait3A_303 = arith.constant 0 : i32
      %dma_wait3A_304 = arith.constant 0 : i32
      %dma_wait3A_305 = tpu.memref_slice %arg3[%dma_wait3A_303, %dma_wait3A_304] : memref<65536x128xf32, #tpu.memory_space<hbm>> -> memref<65536x128xf32, #tpu.memory_space<hbm>>
      tpu.wait_indirect_dma semaphore(%arg12 : memref<!tpu.dma_semaphore, #tpu.memory_space<semaphore_mem>>) src(%arg11 : memref<128x128xf32, #tpu.memory_space<vmem>>) dst(%dma_wait3A_305 : memref<65536x128xf32, #tpu.memory_space<hbm>>)
    } else {
    }
    return
  }
}

module attributes {stable_mosaic.version = 14 : i64} {
  func.func @_tc_copy_body(%arg0: i32, %arg1: memref<1x8192x128xf32, #tpu.memory_space<vmem>>, %arg2: memref<1x8192x128xf32, #tpu.memory_space<vmem>>, %arg3: memref<1x8192x128xf32, #tpu.memory_space<vmem>>, %arg4: memref<1x8192x128xf32, #tpu.memory_space<vmem>>) attributes {dimension_semantics = [#tpu.dimension_semantics<arbitrary>], iteration_bounds = array<i64: 8>, scalar_prefetch = 0 : i64, scratch_operands = 0 : i64, tpu.core_type = #tpu.core_type<tc>, window_params = [{transform_indices = @transform_0, window_bounds = array<i64: 1, 8192, 128>}, {transform_indices = @transform_1, window_bounds = array<i64: 1, 8192, 128>}, {transform_indices = @transform_2, window_bounds = array<i64: 1, 8192, 128>}, {transform_indices = @transform_3, window_bounds = array<i64: 1, 8192, 128>}]} {
    %get3A = arith.constant 0 : index
    %get3A_0 = arith.constant 0 : index
    %get3A_1 = arith.constant 0 : index
    %get3A_2 = vector.load %arg1[%get3A, %get3A_0, %get3A_1] : memref<1x8192x128xf32, #tpu.memory_space<vmem>>, vector<1x8192x128xf32>
    %swap3A = arith.constant 0 : index
    %swap3A_3 = arith.constant 0 : index
    %swap3A_4 = arith.constant 0 : index
    %swap3A_5 = vector.load %arg3[%swap3A, %swap3A_3, %swap3A_4] : memref<1x8192x128xf32, #tpu.memory_space<vmem>>, vector<1x8192x128xf32>
    tpu.vector_store %arg3[%swap3A, %swap3A_3, %swap3A_4], %get3A_2 {strides = array<i32>} : memref<1x8192x128xf32, #tpu.memory_space<vmem>>, vector<1x8192x128xf32>,
    %get3A_6 = arith.constant 0 : index
    %get3A_7 = arith.constant 0 : index
    %get3A_8 = arith.constant 0 : index
    %get3A_9 = vector.load %arg2[%get3A_6, %get3A_7, %get3A_8] : memref<1x8192x128xf32, #tpu.memory_space<vmem>>, vector<1x8192x128xf32>
    %swap3A_10 = arith.constant 0 : index
    %swap3A_11 = arith.constant 0 : index
    %swap3A_12 = arith.constant 0 : index
    %swap3A_13 = vector.load %arg4[%swap3A_10, %swap3A_11, %swap3A_12] : memref<1x8192x128xf32, #tpu.memory_space<vmem>>, vector<1x8192x128xf32>
    tpu.vector_store %arg4[%swap3A_10, %swap3A_11, %swap3A_12], %get3A_9 {strides = array<i32>} : memref<1x8192x128xf32, #tpu.memory_space<vmem>>, vector<1x8192x128xf32>,
    return
  }
  func.func @transform_0(%arg0: i32) -> (i32, i32, i32) {
    %c0_i32 = arith.constant 0 : i32
    %c0_i32_0 = arith.constant 0 : i32
    %c0_i32_1 = arith.constant 0 : i32
    return %arg0, %c0_i32, %c0_i32_0 : i32, i32, i32
  }
  func.func @transform_1(%arg0: i32) -> (i32, i32, i32) {
    %c0_i32 = arith.constant 0 : i32
    %c0_i32_0 = arith.constant 0 : i32
    %c0_i32_1 = arith.constant 0 : i32
    return %arg0, %c0_i32, %c0_i32_0 : i32, i32, i32
  }
  func.func @transform_2(%arg0: i32) -> (i32, i32, i32) {
    %c0_i32 = arith.constant 0 : i32
    %c0_i32_0 = arith.constant 0 : i32
    %c0_i32_1 = arith.constant 0 : i32
    return %arg0, %c0_i32, %c0_i32_0 : i32, i32, i32
  }
  func.func @transform_3(%arg0: i32) -> (i32, i32, i32) {
    %c0_i32 = arith.constant 0 : i32
    %c0_i32_0 = arith.constant 0 : i32
    %c0_i32_1 = arith.constant 0 : i32
    return %arg0, %c0_i32, %c0_i32_0 : i32, i32, i32
  }
}

</mosaic_0001>

<sc_bundles>
// kernel: kernel.4.cloned.1.call-start
scs
__scs_entry_jumppad:
0x0: {  	(pc) =	sbr.rel $0x88, $3  }
0x1: {  	(tag) =	ssettag $0x0;
	lr =	simm.s32 $0x1  }
0x2: {  	[smem:$0x3F9C] =	sst lr;
	_ =	strace $0xD0000000  }
0x3: {  	_ = 	snop  }
0x4: {  	_ = 	snop  }
0x5: {  	_ = 	snop  }
0x6: {  	_ = 	snop  }
0x7: {  	_ = 	snop  }
__scs_overlays_trampoline_lowered:
0x8: {  	[smem:$0x3FAB] =	sst s0  }
0x9: {  	[smem:$0x3FAC] =	sst s1  }
0xa: {  	[smem:$0x3FAD] =	sst s2  }
0xb: {  	[smem:$0x3FAE] =	sst s3  }
0xc: {  	[smem:$0x3FAF] =	sst s4  }
0xd: {  	[smem:$0x3FB0] =	sst s5  }
0xe: {  	[smem:$0x3FB1] =	sst s6  }
0xf: {  	[smem:$0x3FB2] =	sst s7  }
0x10: {  	[smem:$0x3FB3] =	sst s8  }
0x11: {  	[smem:$0x3FB4] =	sst s9;
	s0 =	simm.s32 @!p0 $0x0  }
0x12: {  	s1 =	sld [smem:$0x3F9A];
	s0 =	simm.s32 @p0 $0x1  }
0x13: {  	[smem:$0x3FB5] =	sst s0;
	s0 =	simm.s32 @!p1 $0x0  }
0x14: {  	s2 =	sld [smem:$0x3F99];
	s0 =	simm.s32 @p1 $0x1  }
0x15: {  	[smem:$0x3FB6] =	sst s0;
	s0 =	simm.s32 @!p2 $0x0  }
0x16: {  	s3 =	sld [smem:$0x3FDB];
	s0 =	simm.s32 @p2 $0x1  }
0x17: {  	s4 =	simm.s32 $0x1BF5;
	[smem:$0x3FB8] =	sst s0  }
0x18: {  	s0 =	sld [smem:$0x3F9B];
	_ =	swait.ge [sflag:s4], $0x0  }
0x19: {  	s7 =	sld [smem:$0x3F9C]  }
0x1a: {  	s8 =	sadd.s32 $0xFFFFE003, lr  }
0x1b: {  	s9 =	sadd.s32 $0xFFFFFEF7, lr;
	s5 =	simm.s32 $0xFFFFFFFF;
	p2 =	slt.u32 s8, $0xFFFFF086  }
0x1c: {  	p1 =	slt.u32 s9, $0xF7A;
	s5 =	simm.s32 @!p2 $0x0  }
0x1d: {  	s5 =	simm.s32 @p1 $0x1;
	p0 =	seq.s32 s7, s2  }
0x1e: {  	s7 =	smul.u32 @!p0 $0xF7A, s2;
	p2 =	seq.s32 @!p0 s5, $0x0  }
0x1f: {  	s9 =	smul.u32 $0xF7A, s1;
	s8 =	simm.s32 @!p0 $0x1BF5;
	p2 =	por !p2, p0  }
0x20: {  	[sflag:s8] =	ssyncset.s32 @!p0 $0xFFFFF086;
	s6 =	sadd.s32 @!p0 s3, s7;
	s7 =	simm.s32 @!p0 $0x108  }
0x21: {  	s3 =	sadd.s32 s3, s9;
	s6 =	sadd.s32 @!p0 $0x88, s6;
	s7 =	simm.s32 @p2 $0x1082  }
0x22: {  	[simem:s7], [sflag:s8] =	dma.local @!p0 [hbm:s6], $0xF7A  }
0x23: {  	s9 =	sor.u32 $0xD0000000, s2;
	s6 =	simm.s32 $0x108;
	_ =	swait.ge @!p0 [sflag:s8], $0x0  }
0x24: {  	s3 =	sadd.s32 $0x88, s3;
	s6 =	simm.s32 @!p1 $0x1082;
	[sflag:s4] =	ssyncset.s32 $0xFFFFF086  }
0x25: {  	[simem:s6], [sflag:s4] =	dma.local [hbm:s3], $0xF7A  }
0x26: {  	[smem:$0x3F9C] =	sst s1;
	(tag) =	ssettag s2;
	_ =	strace s9  }
0x27: {  	s1 =	sld [smem:$0x3FAC]  }
0x28: {  	s2 =	sld [smem:$0x3FAD]  }
0x29: {  	s4 =	sld [smem:$0x3FAF]  }
0x2a: {  	p0 =	seq.s32 s5, $0x0;
	s5 =	sld [smem:$0x3FB0]  }
0x2b: {  	s6 =	sld [smem:$0x3FB1]  }
0x2c: {  	s7 =	sld [smem:$0x3FB2]  }
0x2d: {  	s3 =	simm.s32 $0x108;
	s8 =	sld [smem:$0x3FB3]  }
0x2e: {  	s3 =	simm.s32 @!p0 $0x1082;
	s9 =	sld [smem:$0x3FB4]  }
0x2f: {  	lr =	sadd.s32 s0, s3;
	s0 =	sld [smem:$0x3FAB]  }
0x30: {  	s3 =	sld [smem:$0x3FAE]  }
0x31: {  	[smem:$0x3FB7] =	sst s10  }
0x32: {  	s10 =	sld [smem:$0x3FB5];
	_ =	sdelay $0x3  }
0x33: {  	p0 =	seq.s32 s10, $0x1;
	s10 =	sld [smem:$0x3FB7];
	_ =	sdelay $0x3  }
0x34: {  	[smem:$0x3FB7] =	sst s10  }
0x35: {  	s10 =	sld [smem:$0x3FB6];
	_ =	sdelay $0x3  }
0x36: {  	p1 =	seq.s32 s10, $0x1;
	s10 =	sld [smem:$0x3FB7];
	_ =	sdelay $0x3  }
0x37: {  	[smem:$0x3FB7] =	sst s10  }
0x38: {  	s10 =	sld [smem:$0x3FB8]  }
0x39: {  	_ = 	snop;
	(pc) =	sbr.ind lr, $3  }
0x3a: {  	_ = 	snop  }
0x3b: {  	_ = 	snop  }
0x3c: {  	p2 =	seq.s32 s10, $0x1;
	s10 =	sld [smem:$0x3FB7]  }
0x3d: {  	_ =	shalt  }
0x3e: {  	_ =	shalt  }
0x3f: {  	_ =	shalt  }
0x40: {  	_ =	shalt  }
0x41: {  	_ =	shalt  }
0x42: {  	_ =	shalt  }
0x43: {  	_ =	shalt  }
0x44: {  	_ =	shalt  }
0x45: {  	_ =	shalt  }
0x46: {  	_ =	shalt  }
0x47: {  	_ =	shalt  }
0x48: {  	_ =	shalt  }
0x49: {  	_ =	shalt  }
0x4a: {  	_ =	shalt  }
0x4b: {  	_ =	shalt  }
0x4c: {  	_ =	shalt  }
0x4d: {  	_ =	shalt  }
0x4e: {  	_ =	shalt  }
0x4f: {  	_ =	shalt  }
0x50: {  	_ =	shalt  }
0x51: {  	_ =	shalt  }
0x52: {  	_ =	shalt  }
0x53: {  	_ =	shalt  }
0x54: {  	_ =	shalt  }
0x55: {  	_ =	shalt  }
0x56: {  	_ =	shalt  }
0x57: {  	_ =	shalt  }
0x58: {  	_ =	shalt  }
0x59: {  	_ =	shalt  }
0x5a: {  	_ =	shalt  }
0x5b: {  	_ =	shalt  }
0x5c: {  	_ =	shalt  }
0x5d: {  	_ =	shalt  }
0x5e: {  	_ =	shalt  }
0x5f: {  	_ =	shalt  }
0x60: {  	_ =	shalt  }
0x61: {  	_ =	shalt  }
0x62: {  	_ =	shalt  }
0x63: {  	_ =	shalt  }
0x64: {  	_ =	shalt  }
0x65: {  	_ =	shalt  }
0x66: {  	_ =	shalt  }
0x67: {  	_ =	shalt  }
0x68: {  	_ =	shalt  }
0x69: {  	_ =	shalt  }
0x6a: {  	_ =	shalt  }
0x6b: {  	_ =	shalt  }
0x6c: {  	_ =	shalt  }
0x6d: {  	_ =	shalt  }
0x6e: {  	_ =	shalt  }
0x6f: {  	_ =	shalt  }
0x70: {  	_ =	shalt  }
0x71: {  	_ =	shalt  }
0x72: {  	_ =	shalt  }
0x73: {  	_ =	shalt  }
0x74: {  	_ =	shalt  }
0x75: {  	_ =	shalt  }
0x76: {  	_ =	shalt  }
0x77: {  	_ =	shalt  }
0x78: {  	_ =	shalt  }
0x79: {  	_ =	shalt  }
0x7a: {  	_ =	shalt  }
0x7b: {  	_ =	shalt  }
0x7c: {  	_ =	shalt  }
0x7d: {  	_ =	shalt  }
0x7e: {  	_ =	shalt  }
0x7f: {  	_ =	shalt  }
0x80: {  	_ =	shalt  }
0x81: {  	_ =	shalt  }
0x82: {  	_ =	shalt  }
0x83: {  	_ =	shalt  }
0x84: {  	_ =	shalt  }
0x85: {  	_ =	shalt  }
0x86: {  	_ =	shalt  }
0x87: {  	_ =	shalt  }
.Lfunc_end0:
.L_simem_size_0:
called_computation_lowered:
.L_overlay_start_0:
0x88: {  	s2 =	sld [smem:$0x3FD9]  }
0x89: {  	s3 =	sld [smem:$0x3FFE];
	_ =	sdelay $0x1  }
0x8a: {  	s1 =	srdreg.scid  }
0x8b: {  	s0 =	sand.u32 $0x1, s1  }
0x8c: {  	s15 =	sshll.u32 s0, $0xA;
	s2 =	sadd.s32 s3, s2  }
0x8d: {  	s2 =	sadd.s32 s2, s15  }
0x8e: {  	[smem:$0x3FC3] =	sst s2  }
0x8f: {  	_ = 	snop  }
0x90: {  	s2 =	sld [smem:$0x3FD0]  }
0x91: {  	s16 =	sld [smem:$0x3FC7]  }
0x92: {  	s4 =	sld [smem:$0x3FC6]  }
0x93: {  	s6 =	simm.s32 $0xA;
	s7 =	simm.s32 $0x10;
	s5 =	sld [smem:$0x3FC5]  }
0x94: {  	[smem:s7], [sflag:s6] =	dma.local [hbm:s2], $0x1  }
0x95: {  	_ =	swait.eq [sflag:s6], $0x1  }
0x96: {  	[sflag:s6] =	ssyncset.done $0x0  }
0x97: {  	s17 =	sld [smem:$0x10];
	[sflag:s6] =	ssyncadd.s32 $0xFFFFFFFF  }
0x98: {  	s18 =	sld [smem:$0x11];
	(tm) =	ssettm $0x1  }
0x99: {  	s19 =	sld [smem:$0x3FFB];
	_ =	sdelay $0x3  }
0x9a: {  	_ =	strace s19  }
0x9b: {  	s7 =	sld [smem:$0x3FFC];
	_ =	sdelay $0x3  }
0x9c: {  	_ =	strace s7  }
0x9d: {  	s7 =	sld [smem:$0x3FFD];
	_ =	sdelay $0x3  }
0x9e: {  	_ =	strace s7  }
0x9f: {  	_ =	strace $0x8FFFFFFF  }
0xa0: {  	s20 =	sld [smem:$0x3FDB];
	_ =	sdelay $0x1  }
0xa1: {  	s8 =	simm.s32 $_scs_section_size  }
0xa2: {  	s9 =	simm.s32 $_size__tile_overlayer_lowered;
	s10 =	simm.s32 $_tile_overlayer_lowered  }
0xa3: {  	s23 =	simm.s32 $0x1BFF;
	s22 =	sshll.u32 s10, $0x1;
	s7 =	sadd.s32 s8, s20  }
0xa4: {  	s11 =	simm.s32 $0x0;
	s21 =	sshll.u32 s9, $0x1;
	s9 =	sadd.s32 s22, s7  }
0xa5: {  	[timem:s11], [sflag:s23] =	dma.local [hbm:s9], s21  }
0xa6: {  	_ =	swait.ge [sflag:s23], s21  }
0xa7: {  	s8 =	ssub.s32 $0x0, s21;
	[sflag:s23] =	ssyncset.done $0x0  }
0xa8: {  	[sflag:s23] =	ssyncadd.s32 s8;
	_ =	sdelay $0x1  }
0xa9: {  	s24 =	simm.s32 $0x1B8B  }
0xaa: {  	_ =	swait.ge [sflag:s24], $0x1  }
0xab: {  	[sflag:s24] =	ssyncset.done $0x0  }
0xac: {  	s25 =	simm.s32 $0x1B8E;
	[sflag:s24] =	ssyncadd.s32 $0xFFFFFFFF  }
0xad: {  	s26 =	simm.s32 $execute0_lowered;
	[smem:$0x3FD2] =	sst s25  }
0xae: {  	s8 =	sshll.u32 s26, $0x1;
	_ =	strace $0x80000046;
	[dreg:$0x1] =	wrdreg $0xFFFFFFFF  }
0xaf: {  	s28 =	simm.s32 $_size_execute0_lowered;
	s7 =	sadd.s32 s7, s8;
	[dreg:$0x0] =	wrdreg $0x0  }
0xb0: {  	s8 =	sshll.u32 s28, $0x1;
	[dreg:$0x2] =	wrdreg s7  }
0xb1: {  	[dreg:$0x3] =	wrdreg s8  }
0xb2: {  	[dreg:$0x4] =	wrdreg $0xC0  }
0xb3: {  	_ =	task [dreg:s11], $0x5FFFF  }
0xb4: {  	[dreg:$0x1] =	wrdreg $0xFFFFFFFF  }
0xb5: {  	[dreg:$0x0] =	wrdreg $0x60  }
0xb6: {  	[dreg:$0x2] =	wrdreg s17  }
0xb7: {  	[dreg:$0x3] =	wrdreg s18  }
0xb8: {  	[dreg:$0x4] =	wrdreg s16  }
0xb9: {  	[dreg:$0x5] =	wrdreg s4  }
0xba: {  	[dreg:$0x6] =	wrdreg s5  }
0xbb: {  	[dreg:$0x7] =	wrdreg $0x9  }
0xbc: {  	_ =	task.clear_ibuf [dreg:s11], $0x8FFFF;
	_ =	strace $0x90000046  }
0xbd: {  	s29 =	simm.s32 $0x9;
	_ =	strace $0x80000048  }
0xbe: {  	_ =	swait.ge [sflag:s29], $0x1  }
0xbf: {  	[sflag:s29] =	ssyncadd.s32 $0xFFFFFFFF  }
0xc0: {  	_ =	strace $0x90000048  }
0xc1: {  	_ =	sfence  }
0xc2: {  	s30 =	sld [smem:$0x0];
	_ =	sdelay $0x2  }
0xc3: {  	s31 =	sshll.u32 s1, $0xD;
	s1 =	sshrl.u32 s1, $0x2  }
0xc4: {  	s3 =	sand.u32 $0x4000, s31;
	s1 =	sadd.s32 s1, s30  }
0xc5: {  	s0 =	sor.u32 s3, s0;
	s1 =	sshll.u32 s1, $0x11  }
0xc6: {  	s0 =	sor.u32 s1, s0  }
0xc7: {  	s0 =	sadd.s32 $0x8F2B, s0  }
0xc8: {  	[sflag:s0] =	ssyncadd.remote.s32 $0x1  }
0xc9: {  	_ =	sfence.sel $0xFFFF  }
0xca: {  	[dreg:$0x0] =	wrdreg $0xFFFFFFFF;
	(pc) =	sbr.abs _section_cstart, $3  }
0xcb: {  	[dreg:$0x1] =	wrdreg $0xFFFFFFFF  }
0xcc: {  	_ =	task.clear_ibuf [dreg:s11], $0x2FFFF;
	_ =	strace $0x9FFFFFFF  }
0xcd: {  	(tm) =	ssettm $0x7FFFFFFF  }
tec
execute0_lowered:
.L_overlay_start_1:
0x0: {  	(tag) =	ssettag $0x1  }
0x1: {  	v0 =	vimm.s32 $0xFEDCBA9;
	v1 =	vimm.s32 $0x87654321  }
0x2: {  	v2 =	vimm.s32 $0xFFEDCBA9;
	v3 =	vimm.s32 $0x98765432;
	v4 =	vimm.s32 $0x210FEDCB  }
0x3: {  	v5 =	vimm.s32 $0xA9876543;
	v7 =	vimm.s32 $0xCBA98765;
	v18 =	vimm.s32 $0x6543210F  }
0x4: {  	v19 =	vimm.s32 $0xEDCBA987;
	v20 =	vimm.s32 $0xFEDCBA98;
	v21 =	vimm.s32 $0x76543210  }
0x5: {  	v0 =	vunpack.c.l.s4.s8 v0;
	v1 =	vunpack.c.l.s4.s8 v1;
	v3 =	vunpack.c.l.s4.s8 v3  }
0x6: {  	v4 =	vunpack.c.l.s4.s8 v4;
	v7 =	vunpack.c.l.s4.s8 v7;
	v18 =	vunpack.c.l.s4.s8 v18  }
0x7: {  	v19 =	vunpack.c.l.s4.s8 v19;
	v20 =	vunpack.c.l.s4.s8 v20;
	v8 =	vunpack.c.0.s8.s32 v0  }
0x8: {  	v9 =	vunpack.c.0.s8.s32 v1;
	v1 =	vunpack.c.l.s4.s8 v2;
	v2 =	vimm.s32 $0x10FEDCBA  }
0x9: {  	v11 =	vunpack.c.0.s8.s32 v3;
	v12 =	vunpack.c.0.s8.s32 v4;
	v17 =	vunpack.c.0.s8.s32 v7  }
0xa: {  	v7 =	vimm.s32 $0xDCBA9876;
	v18 =	vunpack.c.0.s8.s32 v18;
	v19 =	vunpack.c.0.s8.s32 v19  }
0xb: {  	v3 =	vimm.s32 $0x3210FEDC;
	v2 =	vunpack.c.l.s4.s8 v2;
	v7 =	vunpack.c.l.s4.s8 v7  }
0xc: {  	v0 =	vcombine.low v9, v8;
	v1 =	vunpack.c.0.s8.s32 v1;
	v25 =	vcombine.low v19, v18  }
0xd: {  	v63 =	vcombine.low v8, v9;
	v10 =	vunpack.c.0.s8.s32 v2;
	v2 =	vunpack.c.l.s4.s8 v5  }
0xe: {  	v23 =	vunpack.c.0.s8.s32 v7;
	v7 =	vunpack.c.0.s8.s32 v20;
	v1 =	vcombine.low v9, v1  }
0xf: {  	v9 =	vand.u32 $0xF, v25;
	v13 =	vunpack.c.0.s8.s32 v2;
	v2 =	vunpack.c.l.s4.s8 v3  }
0x10: {  	v3 =	vimm.s32 $0xBA987654;
	v4 =	vcombine.low v11, v10;
	v7 =	vand.u32 $0xF, v7  }
0x11: {  	v11 =	vcombine.low v10, v11;
	v10 =	vand.u32 $0xF, v63;
	v3 =	vunpack.c.l.s4.s8 v3  }
0x12: {  	s0 =	rddreg [dreg:$0x0];
	v5 =	vcombine.low v13, v12;
	v14 =	vunpack.c.0.s8.s32 v2;
	v2 =	vimm.s32 $0x43210FED  }
0x13: {  	s1 =	rddreg [dreg:$0x1];
	v1 =	vand.u32 $0xF, v1;
	v15 =	vunpack.c.0.s8.s32 v3;
	v6 =	vunpack.c.l.s4.s8 v2  }
0x14: {  	s2 =	rddreg [dreg:$0x2];
	v12 =	vcombine.low v12, v13;
	v3 =	vand.u32 $0xF, v4;
	v4 =	vand.u32 $0xF, v5  }
0x15: {  	s4 =	rddreg [dreg:$0x3];
	v5 =	vcombine.low v15, v14;
	v16 =	vunpack.c.0.s8.s32 v6;
	v6 =	vimm.s32 $0x543210FE  }
0x16: {  	s3 =	srdreg.scid;
	s6 =	rddreg [dreg:$0x4];
	v11 =	vand.u32 $0xF, v11;
	v2 =	vlaneseq.u32;
	v6 =	vunpack.c.l.s4.s8 v6  }
0x17: {  	s5 =	rddreg [dreg:$0x5];
	_ =	strace $0x80000047;
	s11 =	simm.s32 $0x100;
	v12 =	vand.u32 $0xF, v12;
	v13 =	vcombine.low v14, v15;
	v5 =	vand.u32 $0xF, v5  }
.Ltmp0:
0x18: {  	s7 =	sand.u32 $0x1, s3;
	s3 =	stileid.u32;
	v62 =	vcombine.low v17, v16;
	v22 =	vunpack.c.0.s8.s32 v6;
	v6 =	vunpack.c.l.s4.s8 v21;
	(pc) =	sbr.rel .LBB2_1-.Ltmp0, $4  }
0x19: {  	s12 =	simm.s32 $0x1;
	s8 =	ssub.s32 $0x2, s7;
	s10 =	sshll.u32 s3, $0x1;
	v14 =	vcombine.low v16, v17;
	v16 =	vcombine.low v18, v19;
	v13 =	vand.u32 $0xF, v13  }
0x1a: {  	s9 =	sshrl.u32 s8, $0x1;
	s13 =	sor.u32 s7, s10;
	s10 =	simm.s32 $0x80;
	v21 =	vunpack.c.0.s8.s32 v6;
	v24 =	vcombine.low v23, v22;
	v15 =	vcombine.low v22, v23  }
0x1b: {  	s8 =	ssub.s32 s8, s9;
	p0 =	seq.s32 s13, $0x0;
	s9 =	simm.s32 $0x2;
	v14 =	vand.u32 $0xF, v14;
	v16 =	vand.u32 $0xF, v16;
	v6 =	vand.u32 $0xF, v62  }
0x1c: {  	p1 =	sne.s32 s13, $0x1;
	s7 =	smax.u32 s8, $0x1;
	s8 =	simm.s32 $0x0;
	v7 =	vcombine.low v7, v21;
	v8 =	vand.u32 $0xF, v24;
	v15 =	vand.u32 $0xF, v15  }
.LBB2_4:
0x1d: {  	[tilespmem:s8], [sflag:$0x2] =	stream.linear.gather [hbm4b:s2+s8], $0x80, $0x38;
	[tilespmem:$0x4100] =	vst v63  }
0x1e: {  	_ =	swait.ge [sflag:s9], $0x80  }
0x1f: {  	[sflag:s9] =	ssyncset.done $0x0  }
0x20: {  	[sflag:s9] =	ssyncadd.s32 $0xFFFFFF80  }
0x21: {  	v17 =	vld [tilespmem:$0x0];
	_ =	sdelay $0x4  }
0x22: {  	v18 =	vperm.xlane v17, v0;
	_ =	sdelay $0x1  }
0x23: {  	vm0 =	veq.s32 v18, v17;
	v18 =	vperm.xlane v17, v3  }
0x24: {  	v19 =	vsel vm0, v1, v2  }
0x25: {  	v20 =	vperm.xlane v17, v4;
	vm14 =	veq.s32 v18, v17;
	v18 =	vmax.u32 v19, v3  }
0x26: {  	v18 =	vsel vm14, v18, v19  }
0x27: {  	v52 =	vperm.xlane v17, v5;
	vm15 =	veq.s32 v20, v17;
	v19 =	vmax.u32 v18, v4  }
0x28: {  	v18 =	vsel vm15, v19, v18  }
0x29: {  	v53 =	vperm.xlane v17, v6;
	vm4 =	veq.s32 v52, v17;
	v19 =	vmax.u32 v18, v5  }
0x2a: {  	v18 =	vsel vm4, v19, v18  }
0x2b: {  	v54 =	vperm.xlane v17, v8;
	vm5 =	veq.s32 v53, v17;
	v19 =	vmax.u32 v18, v6  }
0x2c: {  	v18 =	vsel vm5, v19, v18  }
0x2d: {  	v55 =	vperm.xlane v17, v9;
	vm6 =	veq.s32 v54, v17;
	v19 =	vmax.u32 v18, v8  }
0x2e: {  	v18 =	vsel vm6, v19, v18  }
0x2f: {  	v56 =	vperm.xlane v17, v7;
	vm7 =	veq.s32 v55, v17;
	v19 =	vmax.u32 v18, v9  }
0x30: {  	v18 =	vsel vm7, v19, v18  }
0x31: {  	v57 =	vperm.xlane v17, v10;
	vm8 =	veq.s32 v56, v17;
	v19 =	vmax.u32 v18, v7  }
0x32: {  	v18 =	vsel vm8, v19, v18  }
0x33: {  	v58 =	vperm.xlane v17, v11;
	vm9 =	veq.s32 v57, v17;
	v19 =	vmax.u32 v18, v10  }
0x34: {  	v18 =	vsel vm9, v19, v18  }
0x35: {  	v59 =	vperm.xlane v17, v12;
	vm10 =	veq.s32 v58, v17;
	v19 =	vmax.u32 v18, v11  }
0x36: {  	v18 =	vsel vm10, v19, v18  }
0x37: {  	v60 =	vperm.xlane v17, v13;
	vm11 =	veq.s32 v59, v17;
	v19 =	vmax.u32 v18, v12  }
0x38: {  	v18 =	vsel vm11, v19, v18  }
0x39: {  	v61 =	vperm.xlane v17, v14;
	vm12 =	veq.s32 v60, v17;
	v19 =	vmax.u32 v18, v13  }
0x3a: {  	v18 =	vsel vm12, v19, v18  }
0x3b: {  	v62 =	vperm.xlane v17, v15;
	vm13 =	veq.s32 v61, v17;
	v19 =	vmax.u32 v18, v14  }
0x3c: {  	v18 =	vsel vm13, v19, v18  }
0x3d: {  	v63 =	vperm.xlane v17, v16;
	vm14 =	veq.s32 v62, v17;
	v19 =	vmax.u32 v18, v15  }
0x3e: {  	v18 =	vsel vm14, v19, v18  }
0x3f: {  	vm15 =	veq.s32 v63, v17;
	v19 =	vmax.u32 v18, v16  }
0x40: {  	v18 =	vsel vm15, v19, v18  }
0x41: {  	[tilespmem:$0x80] =	vst v18;
	v19 =	vadd.s32 $0x10, v18  }
0x42: {  	[tilespmem:$0x90] =	vst v19;
	v19 =	vadd.s32 $0x20, v18  }
0x43: {  	[tilespmem:$0xA0] =	vst v19;
	v19 =	vadd.s32 $0x30, v18  }
0x44: {  	[tilespmem:$0xB0] =	vst v19;
	v19 =	vadd.s32 $0x40, v18  }
0x45: {  	[tilespmem:$0xC0] =	vst v19;
	v19 =	vadd.s32 $0x50, v18  }
0x46: {  	[tilespmem:$0xD0] =	vst v19;
	v19 =	vadd.s32 $0x60, v18  }
0x47: {  	v18 =	vadd.s32 $0x70, v18;
	[tilespmem:$0xE0] =	vst v19  }
0x48: {  	[tilespmem:$0xF0] =	vst v18  }
0x49: {  	[tilespmem:s11], [sflag:$0x1] =	stream.indirect.gather [hbm4b:s14+s10], $0x80, s10, s10, $0xb8;
	[tilespmem:$0x4100] =	vst v63  }
0x4a: {  	_ =	swait.ge [sflag:s12], $0x4000  }
0x4b: {  	[sflag:s12] =	ssyncset.done $0x0  }
0x4c: {  	[sflag:s12] =	ssyncadd.s32 $0xFFFFC000  }
0x4d: {  	v18 =	vadd.s32 $0x2000, v17;
	[tilespmem:$0x80] =	vst v17  }
0x4e: {  	[tilespmem:$0x90] =	vst v18;
	v18 =	vadd.s32 $0x4000, v17  }
0x4f: {  	[tilespmem:$0xA0] =	vst v18;
	v18 =	vadd.s32 $0x6000, v17  }
0x50: {  	[tilespmem:$0xB0] =	vst v18;
	v18 =	vadd.s32 $0x8000, v17  }
0x51: {  	[tilespmem:$0xC0] =	vst v18;
	v18 =	vadd.s32 $0xA000, v17  }
0x52: {  	[tilespmem:$0xD0] =	vst v18;
	v18 =	vadd.s32 $0xC000, v17  }
0x53: {  	v17 =	vadd.s32 $0xE000, v17;
	[tilespmem:$0xE0] =	vst v18  }
0x54: {  	[tilespmem:$0xF0] =	vst v17  }
0x55: {  	[hbm4b:s13+s10] =	stream.indirect.scatter [tilespmem:s11], [sflag:$0x1], $0x80, s10, s10, $0xb8;
	[tilespmem:$0x4100] =	vst v63  }
0x56: {  	_ =	swait.ge [sflag:s12], $0x4000  }
0x57: {  	[sflag:s12] =	ssyncset.done $0x0  }
0x58: {  	[sflag:s12] =	ssyncadd.s32 $0xFFFFC000  }
.LBB2_5:
0x59: {  	s7 =	sadd.s32 $0xFFFFFFFF, s7  }
0x5a: {  	p2 =	sne.s32 s7, $0x0  }
.Ltmp1:
0x5b: {  	_ = 	snop;
	(pc) =	sbr.rel @!p2 .LBB2_6-.Ltmp1, $1  }
0x5c: {  	_ =	sdelay $0x3  }
.LBB2_1:
.Ltmp2:
0x5d: {  	(pc) =	sbr.rel @p0 .LBB2_4-.Ltmp2, $2  }
0x5e: {  	_ =	sdelay $0x2  }
0x5f: {  	s14 =	smov.u32 s4;
	s13 =	smov.u32 s0  }
.Ltmp3:
0x60: {  	(pc) =	sbr.rel @p1 .LBB2_5-.Ltmp3, $1  }
0x61: {  	_ =	sdelay $0x3  }
.Ltmp4:
0x62: {  	(pc) =	sbr.rel .LBB2_4-.Ltmp4, $2  }
0x63: {  	_ =	sdelay $0x2  }
0x64: {  	s14 =	smov.u32 s6;
	s13 =	smov.u32 s1  }
.LBB2_6:
0x65: {  	_ =	sfence.sel $0x180000  }
0x66: {  	[bflag:$0x0] =	sbarrier.arrive $0xFFFF  }
0x67: {  	p0 =	sne.s32 s3, $0x0;
	_ =	strace $0x90000047  }
0x68: {  	s0 =	sadd.s32 @!p0 $0x100000, s5;
	[bflag:$0x2] =	sbarrier.arrive $0xFFFF  }
0x69: {  	[sflag:s0] =	ssyncadd.tile.s32 @!p0 $0x1;
	_ =	shalt  }
.Lfunc_end2:
_tile_overlayer_lowered:
.L_overlay_start_2:
0x6a: {  	(tag) =	ssettag $0x2  }
0x6b: {  	s0 =	rddreg [dreg:$0x0];
	s2 =	stileid.u32  }
0x6c: {  	s1 =	rddreg [dreg:$0x1];
	p0 =	sne.s32 s2, $0x0  }
0x6d: {  	s3 =	rddreg [dreg:$0x2];
	[bflag:$0x3] =	sbarrier.arrive $0xFFFF;
	s2 =	simm.s32 @!p0 $0x1C02  }
0x6e: {  	[timem:s3], [sflag:s2] =	dma.local @!p0 [hbm:s0], s1  }
0x6f: {  	s0 =	simm.s32 @!p0 $0x2  }
0x70: {  	_ =	swait.ge @!p0 [sflag:s0], s1  }
0x71: {  	s1 =	ssub.s32 @!p0 $0x0, s1;
	[sflag:s0] =	ssyncset.done @!p0 $0x0  }
0x72: {  	[sflag:s0] =	ssyncadd.s32 @!p0 s1  }
0x73: {  	[bflag:$0x3] =	sbarrier.arrive $0xFFFF  }
0x74: {  	_ =	shalt  }

</sc_bundles>
